<compile_context>
chip_gen: v7x
topology: tpu7x:2x2x1
jax: 0.10.2.dev20260603
libtpu: 0.0.44.dev20260713+nightly
codegen_flags: <defaults>
</compile_context>

<pallas_src>
import functools

import jax
import jax.numpy as jnp
from jax import lax
from jax.experimental import pallas as pl
from jax.experimental.pallas import tpu as pltpu
from jax.experimental.pallas import tpu_sc as plsc

B = 128
HW = 49
C = 512
THRESHOLD = 0.5
L = 16

_INFO = plsc.get_sparse_core_info()
NC = _INFO.num_cores
NS = _INFO.num_subcores
NW_ACTIVE = 16
SPW = B // NW_ACTIVE

_GDN = lax.GatherDimensionNumbers(
    offset_dims=(), collapsed_slice_dims=(0,), start_index_map=(0,)
)


def _lane_perm(vec, idx):
    return lax.gather(
        vec, idx[:, None], _GDN, (1,),
        mode=lax.GatherScatterMode.PROMISE_IN_BOUNDS,
    )


def _sc_body(bA_hbm, idx_hbm, bA_v, idx_v):
    wid = lax.axis_index("s") * NC + lax.axis_index("c")

    @pl.when(wid < NW_ACTIVE)
    def _():
        base = wid * SPW
        pltpu.sync_copy(bA_hbm.at[pl.ds(base, SPW)], bA_v)
        lanes = lax.iota(jnp.int32, L)
        acc = lanes
        for s in range(SPW):
            def amax_body(j, carry, s=s):
                bv, bi = carry
                v = bA_v[s, pl.ds(j * L, L)]
                idx = j * L + lanes
                take = v > bv
                return (jnp.where(take, v, bv), jnp.where(take, idx, bi))

            bv0 = bA_v[s, pl.ds(0, L)]
            bv, bi = lax.fori_loop(1, C // L, amax_body, (bv0, lanes))
            for sh in (8, 4, 2, 1):
                perm = lanes ^ sh
                pv = _lane_perm(bv, perm)
                pi = _lane_perm(bi, perm)
                take = (pv > bv) | ((pv == bv) & (pi < bi))
                bv = jnp.where(take, pv, bv)
                bi = jnp.where(take, pi, bi)
            acc = jnp.where(lanes == s, bi, acc)
        idx_v[...] = acc
        pltpu.sync_copy(idx_v.at[pl.ds(0, SPW)], idx_hbm.at[pl.ds(base, SPW)])


_sc_argmax = functools.partial(
    pl.kernel,
    out_type=jax.ShapeDtypeStruct((B,), jnp.int32),
    mesh=plsc.VectorSubcoreMesh(core_axis_name="c", subcore_axis_name="s"),
    scratch_types=[
        pltpu.VMEM((SPW, C), jnp.float32),
        pltpu.VMEM((L,), jnp.int32),
    ],
)(_sc_body)


SPB = 8
IOTA_C = None


def _tc_body(idx_ref, interm_ref, vgg_ref, o_ref):
    i = pl.program_id(0)
    iota_c = lax.broadcasted_iota(jnp.int32, (7, 7, C), 2)
    for s in range(SPB):
        sel = idx_ref[i * SPB + s]
        a = jnp.sum(
            jnp.where(iota_c == sel, interm_ref[s], 0.0),
            axis=2, keepdims=True,
        )
        tmp = jnp.where(a > THRESHOLD, a, 0.0)
        o_ref[s] = vgg_ref[s] - tmp


def kernel(vgg_end, interm, branchA_end):
    idx = _sc_argmax(branchA_end)
    grid_spec = pltpu.PrefetchScalarGridSpec(
        num_scalar_prefetch=1,
        grid=(B // SPB,),
        in_specs=[
            pl.BlockSpec((SPB, 7, 7, C), lambda i, idx_ref: (i, 0, 0, 0)),
            pl.BlockSpec((SPB, 7, 7, C), lambda i, idx_ref: (i, 0, 0, 0)),
        ],
        out_specs=pl.BlockSpec((SPB, 7, 7, C), lambda i, idx_ref: (i, 0, 0, 0)),
    )
    return pl.pallas_call(
        _tc_body,
        grid_spec=grid_spec,
        out_shape=jax.ShapeDtypeStruct((B, 7, 7, C), jnp.float32),
    )(idx, interm, vgg_end)

# --- scband reference (transcript-rebuilt; emitter-appended) ---
"""Pipeline reference for scband-adversarial-33483565039790 (READ-ONLY COPY).

The authoritative reference and input builder live on the scoring server;
editing this copy changes nothing except your own understanding.
"""

import jax, jax.numpy as jnp
import numpy as np

BATCH_SIZE = 128
THRESHOLD = 0.5

def setup_inputs(seed: int = 0) -> dict:
    key = jax.random.key(seed)
    k1, k2, k3 = jax.random.split(key, 3)
    vgg_end = jax.random.normal(k1, (BATCH_SIZE, 7, 7, 512), dtype=jnp.float32)
    interm = jax.random.normal(k2, (BATCH_SIZE, 7, 7, 512), dtype=jnp.float32)
    branchA_end = jax.random.normal(k3, (BATCH_SIZE, 512), dtype=jnp.float32)
    return {"vgg_end": vgg_end, "interm": interm, "branchA_end": branchA_end}

def reference(vgg_end, interm, branchA_end):
    # max_idx = tf.argmax(branchA_end, axis=1)
    max_idx = jnp.argmax(branchA_end, axis=1)  # [B] int
    # per-sample channel gather: interm[b, :, :, max_idx[b]] -> [B, 7, 7, 1]
    a = jnp.take_along_axis(interm, max_idx[:, None, None, None], axis=3)
    # tile to [B, 7, 7, 512]
    tmp = jnp.tile(a, (1, 1, 1, 512))
    # tf.where(tmp > threshold, tmp, tmp * 0)
    tmp = jnp.where(tmp > THRESHOLD, tmp, jnp.zeros_like(tmp))
    adv = vgg_end - tmp
    return adv

if __name__ == "__main__":
    import jax
    _d = setup_inputs()
    print(jax.jit(kernel)(*tuple(_d.values())))

</pallas_src>

<mosaic_0001>
#map = affine_map<(d0, d1) -> (0, 0)>
#map1 = affine_map<(d0, d1) -> (0)>
module attributes {stable_mosaic.version = 14 : i64} {
  func.func @_sc_body(%arg0: i32, %arg1: i32, %arg2: memref<128x512xf32, #tpu.memory_space<hbm>>, %arg3: memref<128xi32, #tpu.memory_space<hbm>>, %arg4: memref<8x512xf32, #tpu.memory_space<vmem>>, %arg5: memref<16xi32, #tpu.memory_space<vmem>>) attributes {dimension_semantics = [#tpu.dimension_semantics<core_parallel>, #tpu.dimension_semantics<subcore_parallel>], iteration_bounds = array<i64: 2, 16>, scalar_prefetch = 0 : i64, scratch_operands = 2 : i64, tpu.core_type = #tpu.core_type<sc_vector_subcore>, window_params = [{transform_indices = #map}, {transform_indices = #map1}]} {
    %mul3A = arith.constant 2 : i32
    %mul3A_0 = arith.muli %arg1, %mul3A : i32
    %add3A = arith.addi %mul3A_0, %arg0 : i32
    %lt3A = arith.constant 16 : i32
    %lt3A_1 = arith.cmpi slt, %add3A, %lt3A : i32
    %convert_element_type3A = arith.extui %lt3A_1 : i1 to i32
    %cond3A = arith.constant 0 : i32
    %cond3A_2 = arith.cmpi ne, %convert_element_type3A, %cond3A : i32
    scf.if %cond3A_2 {
      %mul3A_3 = arith.constant 8 : i32
      %mul3A_4 = arith.muli %add3A, %mul3A_3 : i32
      "tpu.region"() ({
        %run_scoped3A = tpu.sem_alloc : memref<!tpu.dma_semaphore, #tpu.memory_space<semaphore_mem>>
        %dma_start3A = arith.constant 0 : i32
        %dma_start3A_630 = tpu.memref_slice %arg2[%mul3A_4, %dma_start3A] : memref<128x512xf32, #tpu.memory_space<hbm>> -> memref<8x512xf32, #tpu.memory_space<hbm>>
        %dma_start3A_631 = arith.constant 0 : i32
        %dma_start3A_632 = tpu.memref_slice %arg2[%mul3A_4, %dma_start3A_631] : memref<128x512xf32, #tpu.memory_space<hbm>> -> memref<8x512xf32, #tpu.memory_space<hbm>>
        tpu.enqueue_dma source(%dma_start3A_632 : memref<8x512xf32, #tpu.memory_space<hbm>>) target(%arg4 : memref<8x512xf32, #tpu.memory_space<vmem>>) target_semaphore(%run_scoped3A : memref<!tpu.dma_semaphore, #tpu.memory_space<semaphore_mem>>)
        %dma_wait3A = arith.constant 0 : i32
        %dma_wait3A_633 = tpu.memref_slice %arg2[%mul3A_4, %dma_wait3A] : memref<128x512xf32, #tpu.memory_space<hbm>> -> memref<8x512xf32, #tpu.memory_space<hbm>>
        %dma_wait3A_634 = arith.constant 0 : i32
        %dma_wait3A_635 = tpu.memref_slice %arg2[%mul3A_4, %dma_wait3A_634] : memref<128x512xf32, #tpu.memory_space<hbm>> -> memref<8x512xf32, #tpu.memory_space<hbm>>
        tpu.wait_dma2 semaphore(%run_scoped3A : memref<!tpu.dma_semaphore, #tpu.memory_space<semaphore_mem>>) src(%dma_wait3A_635 : memref<8x512xf32, #tpu.memory_space<hbm>>) dst(%arg4 : memref<8x512xf32, #tpu.memory_space<vmem>>)
        tpu.yield
      }) : () -> ()
      %iota3A = tpu.iota {dimensions = array<i32: 0>} : vector<16xi32>
      %get3A = arith.constant 0 : i32
      %get3A_5 = arith.index_cast %get3A : i32 to index
      %get3A_6 = arith.constant 0 : index
      %get3A_7 = tpu.vector_load %arg4[%get3A_5, %get3A_6] {strides = array<i32>} : memref<8x512xf32, #tpu.memory_space<vmem>>, vector<1x16xf32>,
      %get3A_8 = vector.shape_cast %get3A_7 : vector<1x16xf32> to vector<16xf32>
      %scan3A = arith.constant 1 : i32
      %scan3A_9 = arith.constant 31 : i32
      %scan3A_10 = arith.addi %scan3A, %scan3A_9 : i32
      %scan3A_11 = arith.constant 1 : i32
      %scan3A_12:2 = scf.for %scan3A_630 = %scan3A to %scan3A_10 step %scan3A_11 iter_args(%scan3A_631 = %get3A_8, %scan3A_632 = %iota3A) -> (vector<16xf32>, vector<16xi32>)  : i32 {
        %mul3A_633 = arith.constant 16 : i32
        %mul3A_634 = arith.muli %scan3A_630, %mul3A_633 : i32
        %get3A_635 = arith.constant 0 : i32
        %get3A_636 = arith.index_cast %get3A_635 : i32 to index
        %get3A_637 = arith.index_cast %mul3A_634 : i32 to index
        %get3A_638 = tpu.vector_load %arg4[%get3A_636, %get3A_637] {strides = array<i32>} : memref<8x512xf32, #tpu.memory_space<vmem>>, vector<1x16xf32>,
        %get3A_639 = vector.shape_cast %get3A_638 : vector<1x16xf32> to vector<16xf32>
        %mul3A_640 = arith.constant 16 : i32
        %mul3A_641 = arith.muli %scan3A_630, %mul3A_640 : i32
        %add3A_642 = vector.broadcast %mul3A_641 : i32 to vector<16xi32>
        %add3A_643 = arith.addi %add3A_642, %iota3A : vector<16xi32>
        %gt3A_644 = arith.cmpf ogt, %get3A_639, %scan3A_631 : vector<16xf32>
        %select_n3A_645 = arith.select %gt3A_644, %get3A_639, %scan3A_631 : vector<16xi1>, vector<16xf32>
        %select_n3A_646 = arith.select %gt3A_644, %add3A_643, %scan3A_632 : vector<16xi1>, vector<16xi32>
        scf.yield %select_n3A_645, %select_n3A_646 : vector<16xf32>, vector<16xi32>
      }
      %scan3A_13 = arith.constant 31 : i32
      %xor3A = arith.constant 8 : i32
      %xor3A_14 = vector.broadcast %xor3A : i32 to vector<16xi32>
      %xor3A_15 = arith.xori %iota3A, %xor3A_14 : vector<16xi32>
      %broadcast_in_dim3A = vector.shape_cast %xor3A_15 : vector<16xi32> to vector<16x1xi32>
      %gather3A = vector.shape_cast %broadcast_in_dim3A : vector<16x1xi32> to vector<16xi32>
      %gather3A_16 = tpu.dynamic_gather %scan3A_12#0[%gather3A] in [0] : vector<16xf32>, vector<16xi32> -> vector<16xf32>
      %broadcast_in_dim3A_17 = vector.shape_cast %xor3A_15 : vector<16xi32> to vector<16x1xi32>
      %gather3A_18 = vector.shape_cast %broadcast_in_dim3A_17 : vector<16x1xi32> to vector<16xi32>
      %gather3A_19 = tpu.dynamic_gather %scan3A_12#1[%gather3A_18] in [0] : vector<16xi32>, vector<16xi32> -> vector<16xi32>
      %gt3A = arith.cmpf ogt, %gather3A_16, %scan3A_12#0 : vector<16xf32>
      %eq3A = arith.cmpf oeq, %gather3A_16, %scan3A_12#0 : vector<16xf32>
      %lt3A_20 = arith.cmpi slt, %gather3A_19, %scan3A_12#1 : vector<16xi32>
      %and3A = arith.andi %eq3A, %lt3A_20 : vector<16xi1>
      %or3A = arith.ori %gt3A, %and3A : vector<16xi1>
      %select_n3A = arith.select %or3A, %gather3A_16, %scan3A_12#0 : vector<16xi1>, vector<16xf32>
      %select_n3A_21 = arith.select %or3A, %gather3A_19, %scan3A_12#1 : vector<16xi1>, vector<16xi32>
      %xor3A_22 = arith.constant 4 : i32
      %xor3A_23 = vector.broadcast %xor3A_22 : i32 to vector<16xi32>
      %xor3A_24 = arith.xori %iota3A, %xor3A_23 : vector<16xi32>
      %broadcast_in_dim3A_25 = vector.shape_cast %xor3A_24 : vector<16xi32> to vector<16x1xi32>
      %gather3A_26 = vector.shape_cast %broadcast_in_dim3A_25 : vector<16x1xi32> to vector<16xi32>
      %gather3A_27 = tpu.dynamic_gather %select_n3A[%gather3A_26] in [0] : vector<16xf32>, vector<16xi32> -> vector<16xf32>
      %broadcast_in_dim3A_28 = vector.shape_cast %xor3A_24 : vector<16xi32> to vector<16x1xi32>
      %gather3A_29 = vector.shape_cast %broadcast_in_dim3A_28 : vector<16x1xi32> to vector<16xi32>
      %gather3A_30 = tpu.dynamic_gather %select_n3A_21[%gather3A_29] in [0] : vector<16xi32>, vector<16xi32> -> vector<16xi32>
      %gt3A_31 = arith.cmpf ogt, %gather3A_27, %select_n3A : vector<16xf32>
      %eq3A_32 = arith.cmpf oeq, %gather3A_27, %select_n3A : vector<16xf32>
      %lt3A_33 = arith.cmpi slt, %gather3A_30, %select_n3A_21 : vector<16xi32>
      %and3A_34 = arith.andi %eq3A_32, %lt3A_33 : vector<16xi1>
      %or3A_35 = arith.ori %gt3A_31, %and3A_34 : vector<16xi1>
      %select_n3A_36 = arith.select %or3A_35, %gather3A_27, %select_n3A : vector<16xi1>, vector<16xf32>
      %select_n3A_37 = arith.select %or3A_35, %gather3A_30, %select_n3A_21 : vector<16xi1>, vector<16xi32>
      %xor3A_38 = arith.constant 2 : i32
      %xor3A_39 = vector.broadcast %xor3A_38 : i32 to vector<16xi32>
      %xor3A_40 = arith.xori %iota3A, %xor3A_39 : vector<16xi32>
      %broadcast_in_dim3A_41 = vector.shape_cast %xor3A_40 : vector<16xi32> to vector<16x1xi32>
      %gather3A_42 = vector.shape_cast %broadcast_in_dim3A_41 : vector<16x1xi32> to vector<16xi32>
      %gather3A_43 = tpu.dynamic_gather %select_n3A_36[%gather3A_42] in [0] : vector<16xf32>, vector<16xi32> -> vector<16xf32>
      %broadcast_in_dim3A_44 = vector.shape_cast %xor3A_40 : vector<16xi32> to vector<16x1xi32>
      %gather3A_45 = vector.shape_cast %broadcast_in_dim3A_44 : vector<16x1xi32> to vector<16xi32>
      %gather3A_46 = tpu.dynamic_gather %select_n3A_37[%gather3A_45] in [0] : vector<16xi32>, vector<16xi32> -> vector<16xi32>
      %gt3A_47 = arith.cmpf ogt, %gather3A_43, %select_n3A_36 : vector<16xf32>
      %eq3A_48 = arith.cmpf oeq, %gather3A_43, %select_n3A_36 : vector<16xf32>
      %lt3A_49 = arith.cmpi slt, %gather3A_46, %select_n3A_37 : vector<16xi32>
      %and3A_50 = arith.andi %eq3A_48, %lt3A_49 : vector<16xi1>
      %or3A_51 = arith.ori %gt3A_47, %and3A_50 : vector<16xi1>
      %select_n3A_52 = arith.select %or3A_51, %gather3A_43, %select_n3A_36 : vector<16xi1>, vector<16xf32>
      %select_n3A_53 = arith.select %or3A_51, %gather3A_46, %select_n3A_37 : vector<16xi1>, vector<16xi32>
      %xor3A_54 = arith.constant 1 : i32
      %xor3A_55 = vector.broadcast %xor3A_54 : i32 to vector<16xi32>
      %xor3A_56 = arith.xori %iota3A, %xor3A_55 : vector<16xi32>
      %broadcast_in_dim3A_57 = vector.shape_cast %xor3A_56 : vector<16xi32> to vector<16x1xi32>
      %gather3A_58 = vector.shape_cast %broadcast_in_dim3A_57 : vector<16x1xi32> to vector<16xi32>
      %gather3A_59 = tpu.dynamic_gather %select_n3A_52[%gather3A_58] in [0] : vector<16xf32>, vector<16xi32> -> vector<16xf32>
      %broadcast_in_dim3A_60 = vector.shape_cast %xor3A_56 : vector<16xi32> to vector<16x1xi32>
      %gather3A_61 = vector.shape_cast %broadcast_in_dim3A_60 : vector<16x1xi32> to vector<16xi32>
      %gather3A_62 = tpu.dynamic_gather %select_n3A_53[%gather3A_61] in [0] : vector<16xi32>, vector<16xi32> -> vector<16xi32>
      %gt3A_63 = arith.cmpf ogt, %gather3A_59, %select_n3A_52 : vector<16xf32>
      %eq3A_64 = arith.cmpf oeq, %gather3A_59, %select_n3A_52 : vector<16xf32>
      %lt3A_65 = arith.cmpi slt, %gather3A_62, %select_n3A_53 : vector<16xi32>
      %and3A_66 = arith.andi %eq3A_64, %lt3A_65 : vector<16xi1>
      %or3A_67 = arith.ori %gt3A_63, %and3A_66 : vector<16xi1>
      %select_n3A_68 = arith.select %or3A_67, %gather3A_59, %select_n3A_52 : vector<16xi1>, vector<16xf32>
      %select_n3A_69 = arith.select %or3A_67, %gather3A_62, %select_n3A_53 : vector<16xi1>, vector<16xi32>
      %eq3A_70 = arith.constant 0 : i32
      %eq3A_71 = vector.broadcast %eq3A_70 : i32 to vector<16xi32>
      %eq3A_72 = arith.cmpi eq, %iota3A, %eq3A_71 : vector<16xi32>
      %select_n3A_73 = arith.select %eq3A_72, %select_n3A_69, %iota3A : vector<16xi1>, vector<16xi32>
      %get3A_74 = arith.constant 1 : i32
      %get3A_75 = arith.index_cast %get3A_74 : i32 to index
      %get3A_76 = arith.constant 0 : index
      %get3A_77 = tpu.vector_load %arg4[%get3A_75, %get3A_76] {strides = array<i32>} : memref<8x512xf32, #tpu.memory_space<vmem>>, vector<1x16xf32>,
      %get3A_78 = vector.shape_cast %get3A_77 : vector<1x16xf32> to vector<16xf32>
      %scan3A_79 = arith.constant 1 : i32
      %scan3A_80 = arith.constant 31 : i32
      %scan3A_81 = arith.addi %scan3A_79, %scan3A_80 : i32
      %scan3A_82 = arith.constant 1 : i32
      %scan3A_83:2 = scf.for %scan3A_630 = %scan3A_79 to %scan3A_81 step %scan3A_82 iter_args(%scan3A_631 = %get3A_78, %scan3A_632 = %iota3A) -> (vector<16xf32>, vector<16xi32>)  : i32 {
        %mul3A_633 = arith.constant 16 : i32
        %mul3A_634 = arith.muli %scan3A_630, %mul3A_633 : i32
        %get3A_635 = arith.constant 1 : i32
        %get3A_636 = arith.index_cast %get3A_635 : i32 to index
        %get3A_637 = arith.index_cast %mul3A_634 : i32 to index
        %get3A_638 = tpu.vector_load %arg4[%get3A_636, %get3A_637] {strides = array<i32>} : memref<8x512xf32, #tpu.memory_space<vmem>>, vector<1x16xf32>,
        %get3A_639 = vector.shape_cast %get3A_638 : vector<1x16xf32> to vector<16xf32>
        %mul3A_640 = arith.constant 16 : i32
        %mul3A_641 = arith.muli %scan3A_630, %mul3A_640 : i32
        %add3A_642 = vector.broadcast %mul3A_641 : i32 to vector<16xi32>
        %add3A_643 = arith.addi %add3A_642, %iota3A : vector<16xi32>
        %gt3A_644 = arith.cmpf ogt, %get3A_639, %scan3A_631 : vector<16xf32>
        %select_n3A_645 = arith.select %gt3A_644, %get3A_639, %scan3A_631 : vector<16xi1>, vector<16xf32>
        %select_n3A_646 = arith.select %gt3A_644, %add3A_643, %scan3A_632 : vector<16xi1>, vector<16xi32>
        scf.yield %select_n3A_645, %select_n3A_646 : vector<16xf32>, vector<16xi32>
      }
      %scan3A_84 = arith.constant 31 : i32
      %xor3A_85 = arith.constant 8 : i32
      %xor3A_86 = vector.broadcast %xor3A_85 : i32 to vector<16xi32>
      %xor3A_87 = arith.xori %iota3A, %xor3A_86 : vector<16xi32>
      %broadcast_in_dim3A_88 = vector.shape_cast %xor3A_87 : vector<16xi32> to vector<16x1xi32>
      %gather3A_89 = vector.shape_cast %broadcast_in_dim3A_88 : vector<16x1xi32> to vector<16xi32>
      %gather3A_90 = tpu.dynamic_gather %scan3A_83#0[%gather3A_89] in [0] : vector<16xf32>, vector<16xi32> -> vector<16xf32>
      %broadcast_in_dim3A_91 = vector.shape_cast %xor3A_87 : vector<16xi32> to vector<16x1xi32>
      %gather3A_92 = vector.shape_cast %broadcast_in_dim3A_91 : vector<16x1xi32> to vector<16xi32>
      %gather3A_93 = tpu.dynamic_gather %scan3A_83#1[%gather3A_92] in [0] : vector<16xi32>, vector<16xi32> -> vector<16xi32>
      %gt3A_94 = arith.cmpf ogt, %gather3A_90, %scan3A_83#0 : vector<16xf32>
      %eq3A_95 = arith.cmpf oeq, %gather3A_90, %scan3A_83#0 : vector<16xf32>
      %lt3A_96 = arith.cmpi slt, %gather3A_93, %scan3A_83#1 : vector<16xi32>
      %and3A_97 = arith.andi %eq3A_95, %lt3A_96 : vector<16xi1>
      %or3A_98 = arith.ori %gt3A_94, %and3A_97 : vector<16xi1>
      %select_n3A_99 = arith.select %or3A_98, %gather3A_90, %scan3A_83#0 : vector<16xi1>, vector<16xf32>
      %select_n3A_100 = arith.select %or3A_98, %gather3A_93, %scan3A_83#1 : vector<16xi1>, vector<16xi32>
      %xor3A_101 = arith.constant 4 : i32
      %xor3A_102 = vector.broadcast %xor3A_101 : i32 to vector<16xi32>
      %xor3A_103 = arith.xori %iota3A, %xor3A_102 : vector<16xi32>
      %broadcast_in_dim3A_104 = vector.shape_cast %xor3A_103 : vector<16xi32> to vector<16x1xi32>
      %gather3A_105 = vector.shape_cast %broadcast_in_dim3A_104 : vector<16x1xi32> to vector<16xi32>
      %gather3A_106 = tpu.dynamic_gather %select_n3A_99[%gather3A_105] in [0] : vector<16xf32>, vector<16xi32> -> vector<16xf32>
      %broadcast_in_dim3A_107 = vector.shape_cast %xor3A_103 : vector<16xi32> to vector<16x1xi32>
      %gather3A_108 = vector.shape_cast %broadcast_in_dim3A_107 : vector<16x1xi32> to vector<16xi32>
      %gather3A_109 = tpu.dynamic_gather %select_n3A_100[%gather3A_108] in [0] : vector<16xi32>, vector<16xi32> -> vector<16xi32>
      %gt3A_110 = arith.cmpf ogt, %gather3A_106, %select_n3A_99 : vector<16xf32>
      %eq3A_111 = arith.cmpf oeq, %gather3A_106, %select_n3A_99 : vector<16xf32>
      %lt3A_112 = arith.cmpi slt, %gather3A_109, %select_n3A_100 : vector<16xi32>
      %and3A_113 = arith.andi %eq3A_111, %lt3A_112 : vector<16xi1>
      %or3A_114 = arith.ori %gt3A_110, %and3A_113 : vector<16xi1>
      %select_n3A_115 = arith.select %or3A_114, %gather3A_106, %select_n3A_99 : vector<16xi1>, vector<16xf32>
      %select_n3A_116 = arith.select %or3A_114, %gather3A_109, %select_n3A_100 : vector<16xi1>, vector<16xi32>
      %xor3A_117 = arith.constant 2 : i32
      %xor3A_118 = vector.broadcast %xor3A_117 : i32 to vector<16xi32>
      %xor3A_119 = arith.xori %iota3A, %xor3A_118 : vector<16xi32>
      %broadcast_in_dim3A_120 = vector.shape_cast %xor3A_119 : vector<16xi32> to vector<16x1xi32>
      %gather3A_121 = vector.shape_cast %broadcast_in_dim3A_120 : vector<16x1xi32> to vector<16xi32>
      %gather3A_122 = tpu.dynamic_gather %select_n3A_115[%gather3A_121] in [0] : vector<16xf32>, vector<16xi32> -> vector<16xf32>
      %broadcast_in_dim3A_123 = vector.shape_cast %xor3A_119 : vector<16xi32> to vector<16x1xi32>
      %gather3A_124 = vector.shape_cast %broadcast_in_dim3A_123 : vector<16x1xi32> to vector<16xi32>
      %gather3A_125 = tpu.dynamic_gather %select_n3A_116[%gather3A_124] in [0] : vector<16xi32>, vector<16xi32> -> vector<16xi32>
      %gt3A_126 = arith.cmpf ogt, %gather3A_122, %select_n3A_115 : vector<16xf32>
      %eq3A_127 = arith.cmpf oeq, %gather3A_122, %select_n3A_115 : vector<16xf32>
      %lt3A_128 = arith.cmpi slt, %gather3A_125, %select_n3A_116 : vector<16xi32>
      %and3A_129 = arith.andi %eq3A_127, %lt3A_128 : vector<16xi1>
      %or3A_130 = arith.ori %gt3A_126, %and3A_129 : vector<16xi1>
      %select_n3A_131 = arith.select %or3A_130, %gather3A_122, %select_n3A_115 : vector<16xi1>, vector<16xf32>
      %select_n3A_132 = arith.select %or3A_130, %gather3A_125, %select_n3A_116 : vector<16xi1>, vector<16xi32>
      %xor3A_133 = arith.constant 1 : i32
      %xor3A_134 = vector.broadcast %xor3A_133 : i32 to vector<16xi32>
      %xor3A_135 = arith.xori %iota3A, %xor3A_134 : vector<16xi32>
      %broadcast_in_dim3A_136 = vector.shape_cast %xor3A_135 : vector<16xi32> to vector<16x1xi32>
      %gather3A_137 = vector.shape_cast %broadcast_in_dim3A_136 : vector<16x1xi32> to vector<16xi32>
      %gather3A_138 = tpu.dynamic_gather %select_n3A_131[%gather3A_137] in [0] : vector<16xf32>, vector<16xi32> -> vector<16xf32>
      %broadcast_in_dim3A_139 = vector.shape_cast %xor3A_135 : vector<16xi32> to vector<16x1xi32>
      %gather3A_140 = vector.shape_cast %broadcast_in_dim3A_139 : vector<16x1xi32> to vector<16xi32>
      %gather3A_141 = tpu.dynamic_gather %select_n3A_132[%gather3A_140] in [0] : vector<16xi32>, vector<16xi32> -> vector<16xi32>
      %gt3A_142 = arith.cmpf ogt, %gather3A_138, %select_n3A_131 : vector<16xf32>
      %eq3A_143 = arith.cmpf oeq, %gather3A_138, %select_n3A_131 : vector<16xf32>
      %lt3A_144 = arith.cmpi slt, %gather3A_141, %select_n3A_132 : vector<16xi32>
      %and3A_145 = arith.andi %eq3A_143, %lt3A_144 : vector<16xi1>
      %or3A_146 = arith.ori %gt3A_142, %and3A_145 : vector<16xi1>
      %select_n3A_147 = arith.select %or3A_146, %gather3A_138, %select_n3A_131 : vector<16xi1>, vector<16xf32>
      %select_n3A_148 = arith.select %or3A_146, %gather3A_141, %select_n3A_132 : vector<16xi1>, vector<16xi32>
      %eq3A_149 = arith.constant 1 : i32
      %eq3A_150 = vector.broadcast %eq3A_149 : i32 to vector<16xi32>
      %eq3A_151 = arith.cmpi eq, %iota3A, %eq3A_150 : vector<16xi32>
      %select_n3A_152 = arith.select %eq3A_151, %select_n3A_148, %select_n3A_73 : vector<16xi1>, vector<16xi32>
      %get3A_153 = arith.constant 2 : i32
      %get3A_154 = arith.index_cast %get3A_153 : i32 to index
      %get3A_155 = arith.constant 0 : index
      %get3A_156 = tpu.vector_load %arg4[%get3A_154, %get3A_155] {strides = array<i32>} : memref<8x512xf32, #tpu.memory_space<vmem>>, vector<1x16xf32>,
      %get3A_157 = vector.shape_cast %get3A_156 : vector<1x16xf32> to vector<16xf32>
      %scan3A_158 = arith.constant 1 : i32
      %scan3A_159 = arith.constant 31 : i32
      %scan3A_160 = arith.addi %scan3A_158, %scan3A_159 : i32
      %scan3A_161 = arith.constant 1 : i32
      %scan3A_162:2 = scf.for %scan3A_630 = %scan3A_158 to %scan3A_160 step %scan3A_161 iter_args(%scan3A_631 = %get3A_157, %scan3A_632 = %iota3A) -> (vector<16xf32>, vector<16xi32>)  : i32 {
        %mul3A_633 = arith.constant 16 : i32
        %mul3A_634 = arith.muli %scan3A_630, %mul3A_633 : i32
        %get3A_635 = arith.constant 2 : i32
        %get3A_636 = arith.index_cast %get3A_635 : i32 to index
        %get3A_637 = arith.index_cast %mul3A_634 : i32 to index
        %get3A_638 = tpu.vector_load %arg4[%get3A_636, %get3A_637] {strides = array<i32>} : memref<8x512xf32, #tpu.memory_space<vmem>>, vector<1x16xf32>,
        %get3A_639 = vector.shape_cast %get3A_638 : vector<1x16xf32> to vector<16xf32>
        %mul3A_640 = arith.constant 16 : i32
        %mul3A_641 = arith.muli %scan3A_630, %mul3A_640 : i32
        %add3A_642 = vector.broadcast %mul3A_641 : i32 to vector<16xi32>
        %add3A_643 = arith.addi %add3A_642, %iota3A : vector<16xi32>
        %gt3A_644 = arith.cmpf ogt, %get3A_639, %scan3A_631 : vector<16xf32>
        %select_n3A_645 = arith.select %gt3A_644, %get3A_639, %scan3A_631 : vector<16xi1>, vector<16xf32>
        %select_n3A_646 = arith.select %gt3A_644, %add3A_643, %scan3A_632 : vector<16xi1>, vector<16xi32>
        scf.yield %select_n3A_645, %select_n3A_646 : vector<16xf32>, vector<16xi32>
      }
      %scan3A_163 = arith.constant 31 : i32
      %xor3A_164 = arith.constant 8 : i32
      %xor3A_165 = vector.broadcast %xor3A_164 : i32 to vector<16xi32>
      %xor3A_166 = arith.xori %iota3A, %xor3A_165 : vector<16xi32>
      %broadcast_in_dim3A_167 = vector.shape_cast %xor3A_166 : vector<16xi32> to vector<16x1xi32>
      %gather3A_168 = vector.shape_cast %broadcast_in_dim3A_167 : vector<16x1xi32> to vector<16xi32>
      %gather3A_169 = tpu.dynamic_gather %scan3A_162#0[%gather3A_168] in [0] : vector<16xf32>, vector<16xi32> -> vector<16xf32>
      %broadcast_in_dim3A_170 = vector.shape_cast %xor3A_166 : vector<16xi32> to vector<16x1xi32>
      %gather3A_171 = vector.shape_cast %broadcast_in_dim3A_170 : vector<16x1xi32> to vector<16xi32>
      %gather3A_172 = tpu.dynamic_gather %scan3A_162#1[%gather3A_171] in [0] : vector<16xi32>, vector<16xi32> -> vector<16xi32>
      %gt3A_173 = arith.cmpf ogt, %gather3A_169, %scan3A_162#0 : vector<16xf32>
      %eq3A_174 = arith.cmpf oeq, %gather3A_169, %scan3A_162#0 : vector<16xf32>
      %lt3A_175 = arith.cmpi slt, %gather3A_172, %scan3A_162#1 : vector<16xi32>
      %and3A_176 = arith.andi %eq3A_174, %lt3A_175 : vector<16xi1>
      %or3A_177 = arith.ori %gt3A_173, %and3A_176 : vector<16xi1>
      %select_n3A_178 = arith.select %or3A_177, %gather3A_169, %scan3A_162#0 : vector<16xi1>, vector<16xf32>
      %select_n3A_179 = arith.select %or3A_177, %gather3A_172, %scan3A_162#1 : vector<16xi1>, vector<16xi32>
      %xor3A_180 = arith.constant 4 : i32
      %xor3A_181 = vector.broadcast %xor3A_180 : i32 to vector<16xi32>
      %xor3A_182 = arith.xori %iota3A, %xor3A_181 : vector<16xi32>
      %broadcast_in_dim3A_183 = vector.shape_cast %xor3A_182 : vector<16xi32> to vector<16x1xi32>
      %gather3A_184 = vector.shape_cast %broadcast_in_dim3A_183 : vector<16x1xi32> to vector<16xi32>
      %gather3A_185 = tpu.dynamic_gather %select_n3A_178[%gather3A_184] in [0] : vector<16xf32>, vector<16xi32> -> vector<16xf32>
      %broadcast_in_dim3A_186 = vector.shape_cast %xor3A_182 : vector<16xi32> to vector<16x1xi32>
      %gather3A_187 = vector.shape_cast %broadcast_in_dim3A_186 : vector<16x1xi32> to vector<16xi32>
      %gather3A_188 = tpu.dynamic_gather %select_n3A_179[%gather3A_187] in [0] : vector<16xi32>, vector<16xi32> -> vector<16xi32>
      %gt3A_189 = arith.cmpf ogt, %gather3A_185, %select_n3A_178 : vector<16xf32>
      %eq3A_190 = arith.cmpf oeq, %gather3A_185, %select_n3A_178 : vector<16xf32>
      %lt3A_191 = arith.cmpi slt, %gather3A_188, %select_n3A_179 : vector<16xi32>
      %and3A_192 = arith.andi %eq3A_190, %lt3A_191 : vector<16xi1>
      %or3A_193 = arith.ori %gt3A_189, %and3A_192 : vector<16xi1>
      %select_n3A_194 = arith.select %or3A_193, %gather3A_185, %select_n3A_178 : vector<16xi1>, vector<16xf32>
      %select_n3A_195 = arith.select %or3A_193, %gather3A_188, %select_n3A_179 : vector<16xi1>, vector<16xi32>
      %xor3A_196 = arith.constant 2 : i32
      %xor3A_197 = vector.broadcast %xor3A_196 : i32 to vector<16xi32>
      %xor3A_198 = arith.xori %iota3A, %xor3A_197 : vector<16xi32>
      %broadcast_in_dim3A_199 = vector.shape_cast %xor3A_198 : vector<16xi32> to vector<16x1xi32>
      %gather3A_200 = vector.shape_cast %broadcast_in_dim3A_199 : vector<16x1xi32> to vector<16xi32>
      %gather3A_201 = tpu.dynamic_gather %select_n3A_194[%gather3A_200] in [0] : vector<16xf32>, vector<16xi32> -> vector<16xf32>
      %broadcast_in_dim3A_202 = vector.shape_cast %xor3A_198 : vector<16xi32> to vector<16x1xi32>
      %gather3A_203 = vector.shape_cast %broadcast_in_dim3A_202 : vector<16x1xi32> to vector<16xi32>
      %gather3A_204 = tpu.dynamic_gather %select_n3A_195[%gather3A_203] in [0] : vector<16xi32>, vector<16xi32> -> vector<16xi32>
      %gt3A_205 = arith.cmpf ogt, %gather3A_201, %select_n3A_194 : vector<16xf32>
      %eq3A_206 = arith.cmpf oeq, %gather3A_201, %select_n3A_194 : vector<16xf32>
      %lt3A_207 = arith.cmpi slt, %gather3A_204, %select_n3A_195 : vector<16xi32>
      %and3A_208 = arith.andi %eq3A_206, %lt3A_207 : vector<16xi1>
      %or3A_209 = arith.ori %gt3A_205, %and3A_208 : vector<16xi1>
      %select_n3A_210 = arith.select %or3A_209, %gather3A_201, %select_n3A_194 : vector<16xi1>, vector<16xf32>
      %select_n3A_211 = arith.select %or3A_209, %gather3A_204, %select_n3A_195 : vector<16xi1>, vector<16xi32>
      %xor3A_212 = arith.constant 1 : i32
      %xor3A_213 = vector.broadcast %xor3A_212 : i32 to vector<16xi32>
      %xor3A_214 = arith.xori %iota3A, %xor3A_213 : vector<16xi32>
      %broadcast_in_dim3A_215 = vector.shape_cast %xor3A_214 : vector<16xi32> to vector<16x1xi32>
      %gather3A_216 = vector.shape_cast %broadcast_in_dim3A_215 : vector<16x1xi32> to vector<16xi32>
      %gather3A_217 = tpu.dynamic_gather %select_n3A_210[%gather3A_216] in [0] : vector<16xf32>, vector<16xi32> -> vector<16xf32>
      %broadcast_in_dim3A_218 = vector.shape_cast %xor3A_214 : vector<16xi32> to vector<16x1xi32>
      %gather3A_219 = vector.shape_cast %broadcast_in_dim3A_218 : vector<16x1xi32> to vector<16xi32>
      %gather3A_220 = tpu.dynamic_gather %select_n3A_211[%gather3A_219] in [0] : vector<16xi32>, vector<16xi32> -> vector<16xi32>
      %gt3A_221 = arith.cmpf ogt, %gather3A_217, %select_n3A_210 : vector<16xf32>
      %eq3A_222 = arith.cmpf oeq, %gather3A_217, %select_n3A_210 : vector<16xf32>
      %lt3A_223 = arith.cmpi slt, %gather3A_220, %select_n3A_211 : vector<16xi32>
      %and3A_224 = arith.andi %eq3A_222, %lt3A_223 : vector<16xi1>
      %or3A_225 = arith.ori %gt3A_221, %and3A_224 : vector<16xi1>
      %select_n3A_226 = arith.select %or3A_225, %gather3A_217, %select_n3A_210 : vector<16xi1>, vector<16xf32>
      %select_n3A_227 = arith.select %or3A_225, %gather3A_220, %select_n3A_211 : vector<16xi1>, vector<16xi32>
      %eq3A_228 = arith.constant 2 : i32
      %eq3A_229 = vector.broadcast %eq3A_228 : i32 to vector<16xi32>
      %eq3A_230 = arith.cmpi eq, %iota3A, %eq3A_229 : vector<16xi32>
      %select_n3A_231 = arith.select %eq3A_230, %select_n3A_227, %select_n3A_152 : vector<16xi1>, vector<16xi32>
      %get3A_232 = arith.constant 3 : i32
      %get3A_233 = arith.index_cast %get3A_232 : i32 to index
      %get3A_234 = arith.constant 0 : index
      %get3A_235 = tpu.vector_load %arg4[%get3A_233, %get3A_234] {strides = array<i32>} : memref<8x512xf32, #tpu.memory_space<vmem>>, vector<1x16xf32>,
      %get3A_236 = vector.shape_cast %get3A_235 : vector<1x16xf32> to vector<16xf32>
      %scan3A_237 = arith.constant 1 : i32
      %scan3A_238 = arith.constant 31 : i32
      %scan3A_239 = arith.addi %scan3A_237, %scan3A_238 : i32
      %scan3A_240 = arith.constant 1 : i32
      %scan3A_241:2 = scf.for %scan3A_630 = %scan3A_237 to %scan3A_239 step %scan3A_240 iter_args(%scan3A_631 = %get3A_236, %scan3A_632 = %iota3A) -> (vector<16xf32>, vector<16xi32>)  : i32 {
        %mul3A_633 = arith.constant 16 : i32
        %mul3A_634 = arith.muli %scan3A_630, %mul3A_633 : i32
        %get3A_635 = arith.constant 3 : i32
        %get3A_636 = arith.index_cast %get3A_635 : i32 to index
        %get3A_637 = arith.index_cast %mul3A_634 : i32 to index
        %get3A_638 = tpu.vector_load %arg4[%get3A_636, %get3A_637] {strides = array<i32>} : memref<8x512xf32, #tpu.memory_space<vmem>>, vector<1x16xf32>,
        %get3A_639 = vector.shape_cast %get3A_638 : vector<1x16xf32> to vector<16xf32>
        %mul3A_640 = arith.constant 16 : i32
        %mul3A_641 = arith.muli %scan3A_630, %mul3A_640 : i32
        %add3A_642 = vector.broadcast %mul3A_641 : i32 to vector<16xi32>
        %add3A_643 = arith.addi %add3A_642, %iota3A : vector<16xi32>
        %gt3A_644 = arith.cmpf ogt, %get3A_639, %scan3A_631 : vector<16xf32>
        %select_n3A_645 = arith.select %gt3A_644, %get3A_639, %scan3A_631 : vector<16xi1>, vector<16xf32>
        %select_n3A_646 = arith.select %gt3A_644, %add3A_643, %scan3A_632 : vector<16xi1>, vector<16xi32>
        scf.yield %select_n3A_645, %select_n3A_646 : vector<16xf32>, vector<16xi32>
      }
      %scan3A_242 = arith.constant 31 : i32
      %xor3A_243 = arith.constant 8 : i32
      %xor3A_244 = vector.broadcast %xor3A_243 : i32 to vector<16xi32>
      %xor3A_245 = arith.xori %iota3A, %xor3A_244 : vector<16xi32>
      %broadcast_in_dim3A_246 = vector.shape_cast %xor3A_245 : vector<16xi32> to vector<16x1xi32>
      %gather3A_247 = vector.shape_cast %broadcast_in_dim3A_246 : vector<16x1xi32> to vector<16xi32>
      %gather3A_248 = tpu.dynamic_gather %scan3A_241#0[%gather3A_247] in [0] : vector<16xf32>, vector<16xi32> -> vector<16xf32>
      %broadcast_in_dim3A_249 = vector.shape_cast %xor3A_245 : vector<16xi32> to vector<16x1xi32>
      %gather3A_250 = vector.shape_cast %broadcast_in_dim3A_249 : vector<16x1xi32> to vector<16xi32>
      %gather3A_251 = tpu.dynamic_gather %scan3A_241#1[%gather3A_250] in [0] : vector<16xi32>, vector<16xi32> -> vector<16xi32>
      %gt3A_252 = arith.cmpf ogt, %gather3A_248, %scan3A_241#0 : vector<16xf32>
      %eq3A_253 = arith.cmpf oeq, %gather3A_248, %scan3A_241#0 : vector<16xf32>
      %lt3A_254 = arith.cmpi slt, %gather3A_251, %scan3A_241#1 : vector<16xi32>
      %and3A_255 = arith.andi %eq3A_253, %lt3A_254 : vector<16xi1>
      %or3A_256 = arith.ori %gt3A_252, %and3A_255 : vector<16xi1>
      %select_n3A_257 = arith.select %or3A_256, %gather3A_248, %scan3A_241#0 : vector<16xi1>, vector<16xf32>
      %select_n3A_258 = arith.select %or3A_256, %gather3A_251, %scan3A_241#1 : vector<16xi1>, vector<16xi32>
      %xor3A_259 = arith.constant 4 : i32
      %xor3A_260 = vector.broadcast %xor3A_259 : i32 to vector<16xi32>
      %xor3A_261 = arith.xori %iota3A, %xor3A_260 : vector<16xi32>
      %broadcast_in_dim3A_262 = vector.shape_cast %xor3A_261 : vector<16xi32> to vector<16x1xi32>
      %gather3A_263 = vector.shape_cast %broadcast_in_dim3A_262 : vector<16x1xi32> to vector<16xi32>
      %gather3A_264 = tpu.dynamic_gather %select_n3A_257[%gather3A_263] in [0] : vector<16xf32>, vector<16xi32> -> vector<16xf32>
      %broadcast_in_dim3A_265 = vector.shape_cast %xor3A_261 : vector<16xi32> to vector<16x1xi32>
      %gather3A_266 = vector.shape_cast %broadcast_in_dim3A_265 : vector<16x1xi32> to vector<16xi32>
      %gather3A_267 = tpu.dynamic_gather %select_n3A_258[%gather3A_266] in [0] : vector<16xi32>, vector<16xi32> -> vector<16xi32>
      %gt3A_268 = arith.cmpf ogt, %gather3A_264, %select_n3A_257 : vector<16xf32>
      %eq3A_269 = arith.cmpf oeq, %gather3A_264, %select_n3A_257 : vector<16xf32>
      %lt3A_270 = arith.cmpi slt, %gather3A_267, %select_n3A_258 : vector<16xi32>
      %and3A_271 = arith.andi %eq3A_269, %lt3A_270 : vector<16xi1>
      %or3A_272 = arith.ori %gt3A_268, %and3A_271 : vector<16xi1>
      %select_n3A_273 = arith.select %or3A_272, %gather3A_264, %select_n3A_257 : vector<16xi1>, vector<16xf32>
      %select_n3A_274 = arith.select %or3A_272, %gather3A_267, %select_n3A_258 : vector<16xi1>, vector<16xi32>
      %xor3A_275 = arith.constant 2 : i32
      %xor3A_276 = vector.broadcast %xor3A_275 : i32 to vector<16xi32>
      %xor3A_277 = arith.xori %iota3A, %xor3A_276 : vector<16xi32>
      %broadcast_in_dim3A_278 = vector.shape_cast %xor3A_277 : vector<16xi32> to vector<16x1xi32>
      %gather3A_279 = vector.shape_cast %broadcast_in_dim3A_278 : vector<16x1xi32> to vector<16xi32>
      %gather3A_280 = tpu.dynamic_gather %select_n3A_273[%gather3A_279] in [0] : vector<16xf32>, vector<16xi32> -> vector<16xf32>
      %broadcast_in_dim3A_281 = vector.shape_cast %xor3A_277 : vector<16xi32> to vector<16x1xi32>
      %gather3A_282 = vector.shape_cast %broadcast_in_dim3A_281 : vector<16x1xi32> to vector<16xi32>
      %gather3A_283 = tpu.dynamic_gather %select_n3A_274[%gather3A_282] in [0] : vector<16xi32>, vector<16xi32> -> vector<16xi32>
      %gt3A_284 = arith.cmpf ogt, %gather3A_280, %select_n3A_273 : vector<16xf32>
      %eq3A_285 = arith.cmpf oeq, %gather3A_280, %select_n3A_273 : vector<16xf32>
      %lt3A_286 = arith.cmpi slt, %gather3A_283, %select_n3A_274 : vector<16xi32>
      %and3A_287 = arith.andi %eq3A_285, %lt3A_286 : vector<16xi1>
      %or3A_288 = arith.ori %gt3A_284, %and3A_287 : vector<16xi1>
      %select_n3A_289 = arith.select %or3A_288, %gather3A_280, %select_n3A_273 : vector<16xi1>, vector<16xf32>
      %select_n3A_290 = arith.select %or3A_288, %gather3A_283, %select_n3A_274 : vector<16xi1>, vector<16xi32>
      %xor3A_291 = arith.constant 1 : i32
      %xor3A_292 = vector.broadcast %xor3A_291 : i32 to vector<16xi32>
      %xor3A_293 = arith.xori %iota3A, %xor3A_292 : vector<16xi32>
      %broadcast_in_dim3A_294 = vector.shape_cast %xor3A_293 : vector<16xi32> to vector<16x1xi32>
      %gather3A_295 = vector.shape_cast %broadcast_in_dim3A_294 : vector<16x1xi32> to vector<16xi32>
      %gather3A_296 = tpu.dynamic_gather %select_n3A_289[%gather3A_295] in [0] : vector<16xf32>, vector<16xi32> -> vector<16xf32>
      %broadcast_in_dim3A_297 = vector.shape_cast %xor3A_293 : vector<16xi32> to vector<16x1xi32>
      %gather3A_298 = vector.shape_cast %broadcast_in_dim3A_297 : vector<16x1xi32> to vector<16xi32>
      %gather3A_299 = tpu.dynamic_gather %select_n3A_290[%gather3A_298] in [0] : vector<16xi32>, vector<16xi32> -> vector<16xi32>
      %gt3A_300 = arith.cmpf ogt, %gather3A_296, %select_n3A_289 : vector<16xf32>
      %eq3A_301 = arith.cmpf oeq, %gather3A_296, %select_n3A_289 : vector<16xf32>
      %lt3A_302 = arith.cmpi slt, %gather3A_299, %select_n3A_290 : vector<16xi32>
      %and3A_303 = arith.andi %eq3A_301, %lt3A_302 : vector<16xi1>
      %or3A_304 = arith.ori %gt3A_300, %and3A_303 : vector<16xi1>
      %select_n3A_305 = arith.select %or3A_304, %gather3A_296, %select_n3A_289 : vector<16xi1>, vector<16xf32>
      %select_n3A_306 = arith.select %or3A_304, %gather3A_299, %select_n3A_290 : vector<16xi1>, vector<16xi32>
      %eq3A_307 = arith.constant 3 : i32
      %eq3A_308 = vector.broadcast %eq3A_307 : i32 to vector<16xi32>
      %eq3A_309 = arith.cmpi eq, %iota3A, %eq3A_308 : vector<16xi32>
      %select_n3A_310 = arith.select %eq3A_309, %select_n3A_306, %select_n3A_231 : vector<16xi1>, vector<16xi32>
      %get3A_311 = arith.constant 4 : i32
      %get3A_312 = arith.index_cast %get3A_311 : i32 to index
      %get3A_313 = arith.constant 0 : index
      %get3A_314 = tpu.vector_load %arg4[%get3A_312, %get3A_313] {strides = array<i32>} : memref<8x512xf32, #tpu.memory_space<vmem>>, vector<1x16xf32>,
      %get3A_315 = vector.shape_cast %get3A_314 : vector<1x16xf32> to vector<16xf32>
      %scan3A_316 = arith.constant 1 : i32
      %scan3A_317 = arith.constant 31 : i32
      %scan3A_318 = arith.addi %scan3A_316, %scan3A_317 : i32
      %scan3A_319 = arith.constant 1 : i32
      %scan3A_320:2 = scf.for %scan3A_630 = %scan3A_316 to %scan3A_318 step %scan3A_319 iter_args(%scan3A_631 = %get3A_315, %scan3A_632 = %iota3A) -> (vector<16xf32>, vector<16xi32>)  : i32 {
        %mul3A_633 = arith.constant 16 : i32
        %mul3A_634 = arith.muli %scan3A_630, %mul3A_633 : i32
        %get3A_635 = arith.constant 4 : i32
        %get3A_636 = arith.index_cast %get3A_635 : i32 to index
        %get3A_637 = arith.index_cast %mul3A_634 : i32 to index
        %get3A_638 = tpu.vector_load %arg4[%get3A_636, %get3A_637] {strides = array<i32>} : memref<8x512xf32, #tpu.memory_space<vmem>>, vector<1x16xf32>,
        %get3A_639 = vector.shape_cast %get3A_638 : vector<1x16xf32> to vector<16xf32>
        %mul3A_640 = arith.constant 16 : i32
        %mul3A_641 = arith.muli %scan3A_630, %mul3A_640 : i32
        %add3A_642 = vector.broadcast %mul3A_641 : i32 to vector<16xi32>
        %add3A_643 = arith.addi %add3A_642, %iota3A : vector<16xi32>
        %gt3A_644 = arith.cmpf ogt, %get3A_639, %scan3A_631 : vector<16xf32>
        %select_n3A_645 = arith.select %gt3A_644, %get3A_639, %scan3A_631 : vector<16xi1>, vector<16xf32>
        %select_n3A_646 = arith.select %gt3A_644, %add3A_643, %scan3A_632 : vector<16xi1>, vector<16xi32>
        scf.yield %select_n3A_645, %select_n3A_646 : vector<16xf32>, vector<16xi32>
      }
      %scan3A_321 = arith.constant 31 : i32
      %xor3A_322 = arith.constant 8 : i32
      %xor3A_323 = vector.broadcast %xor3A_322 : i32 to vector<16xi32>
      %xor3A_324 = arith.xori %iota3A, %xor3A_323 : vector<16xi32>
      %broadcast_in_dim3A_325 = vector.shape_cast %xor3A_324 : vector<16xi32> to vector<16x1xi32>
      %gather3A_326 = vector.shape_cast %broadcast_in_dim3A_325 : vector<16x1xi32> to vector<16xi32>
      %gather3A_327 = tpu.dynamic_gather %scan3A_320#0[%gather3A_326] in [0] : vector<16xf32>, vector<16xi32> -> vector<16xf32>
      %broadcast_in_dim3A_328 = vector.shape_cast %xor3A_324 : vector<16xi32> to vector<16x1xi32>
      %gather3A_329 = vector.shape_cast %broadcast_in_dim3A_328 : vector<16x1xi32> to vector<16xi32>
      %gather3A_330 = tpu.dynamic_gather %scan3A_320#1[%gather3A_329] in [0] : vector<16xi32>, vector<16xi32> -> vector<16xi32>
      %gt3A_331 = arith.cmpf ogt, %gather3A_327, %scan3A_320#0 : vector<16xf32>
      %eq3A_332 = arith.cmpf oeq, %gather3A_327, %scan3A_320#0 : vector<16xf32>
      %lt3A_333 = arith.cmpi slt, %gather3A_330, %scan3A_320#1 : vector<16xi32>
      %and3A_334 = arith.andi %eq3A_332, %lt3A_333 : vector<16xi1>
      %or3A_335 = arith.ori %gt3A_331, %and3A_334 : vector<16xi1>
      %select_n3A_336 = arith.select %or3A_335, %gather3A_327, %scan3A_320#0 : vector<16xi1>, vector<16xf32>
      %select_n3A_337 = arith.select %or3A_335, %gather3A_330, %scan3A_320#1 : vector<16xi1>, vector<16xi32>
      %xor3A_338 = arith.constant 4 : i32
      %xor3A_339 = vector.broadcast %xor3A_338 : i32 to vector<16xi32>
      %xor3A_340 = arith.xori %iota3A, %xor3A_339 : vector<16xi32>
      %broadcast_in_dim3A_341 = vector.shape_cast %xor3A_340 : vector<16xi32> to vector<16x1xi32>
      %gather3A_342 = vector.shape_cast %broadcast_in_dim3A_341 : vector<16x1xi32> to vector<16xi32>
      %gather3A_343 = tpu.dynamic_gather %select_n3A_336[%gather3A_342] in [0] : vector<16xf32>, vector<16xi32> -> vector<16xf32>
      %broadcast_in_dim3A_344 = vector.shape_cast %xor3A_340 : vector<16xi32> to vector<16x1xi32>
      %gather3A_345 = vector.shape_cast %broadcast_in_dim3A_344 : vector<16x1xi32> to vector<16xi32>
      %gather3A_346 = tpu.dynamic_gather %select_n3A_337[%gather3A_345] in [0] : vector<16xi32>, vector<16xi32> -> vector<16xi32>
      %gt3A_347 = arith.cmpf ogt, %gather3A_343, %select_n3A_336 : vector<16xf32>
      %eq3A_348 = arith.cmpf oeq, %gather3A_343, %select_n3A_336 : vector<16xf32>
      %lt3A_349 = arith.cmpi slt, %gather3A_346, %select_n3A_337 : vector<16xi32>
      %and3A_350 = arith.andi %eq3A_348, %lt3A_349 : vector<16xi1>
      %or3A_351 = arith.ori %gt3A_347, %and3A_350 : vector<16xi1>
      %select_n3A_352 = arith.select %or3A_351, %gather3A_343, %select_n3A_336 : vector<16xi1>, vector<16xf32>
      %select_n3A_353 = arith.select %or3A_351, %gather3A_346, %select_n3A_337 : vector<16xi1>, vector<16xi32>
      %xor3A_354 = arith.constant 2 : i32
      %xor3A_355 = vector.broadcast %xor3A_354 : i32 to vector<16xi32>
      %xor3A_356 = arith.xori %iota3A, %xor3A_355 : vector<16xi32>
      %broadcast_in_dim3A_357 = vector.shape_cast %xor3A_356 : vector<16xi32> to vector<16x1xi32>
      %gather3A_358 = vector.shape_cast %broadcast_in_dim3A_357 : vector<16x1xi32> to vector<16xi32>
      %gather3A_359 = tpu.dynamic_gather %select_n3A_352[%gather3A_358] in [0] : vector<16xf32>, vector<16xi32> -> vector<16xf32>
      %broadcast_in_dim3A_360 = vector.shape_cast %xor3A_356 : vector<16xi32> to vector<16x1xi32>
      %gather3A_361 = vector.shape_cast %broadcast_in_dim3A_360 : vector<16x1xi32> to vector<16xi32>
      %gather3A_362 = tpu.dynamic_gather %select_n3A_353[%gather3A_361] in [0] : vector<16xi32>, vector<16xi32> -> vector<16xi32>
      %gt3A_363 = arith.cmpf ogt, %gather3A_359, %select_n3A_352 : vector<16xf32>
      %eq3A_364 = arith.cmpf oeq, %gather3A_359, %select_n3A_352 : vector<16xf32>
      %lt3A_365 = arith.cmpi slt, %gather3A_362, %select_n3A_353 : vector<16xi32>
      %and3A_366 = arith.andi %eq3A_364, %lt3A_365 : vector<16xi1>
      %or3A_367 = arith.ori %gt3A_363, %and3A_366 : vector<16xi1>
      %select_n3A_368 = arith.select %or3A_367, %gather3A_359, %select_n3A_352 : vector<16xi1>, vector<16xf32>
      %select_n3A_369 = arith.select %or3A_367, %gather3A_362, %select_n3A_353 : vector<16xi1>, vector<16xi32>
      %xor3A_370 = arith.constant 1 : i32
      %xor3A_371 = vector.broadcast %xor3A_370 : i32 to vector<16xi32>
      %xor3A_372 = arith.xori %iota3A, %xor3A_371 : vector<16xi32>
      %broadcast_in_dim3A_373 = vector.shape_cast %xor3A_372 : vector<16xi32> to vector<16x1xi32>
      %gather3A_374 = vector.shape_cast %broadcast_in_dim3A_373 : vector<16x1xi32> to vector<16xi32>
      %gather3A_375 = tpu.dynamic_gather %select_n3A_368[%gather3A_374] in [0] : vector<16xf32>, vector<16xi32> -> vector<16xf32>
      %broadcast_in_dim3A_376 = vector.shape_cast %xor3A_372 : vector<16xi32> to vector<16x1xi32>
      %gather3A_377 = vector.shape_cast %broadcast_in_dim3A_376 : vector<16x1xi32> to vector<16xi32>
      %gather3A_378 = tpu.dynamic_gather %select_n3A_369[%gather3A_377] in [0] : vector<16xi32>, vector<16xi32> -> vector<16xi32>
      %gt3A_379 = arith.cmpf ogt, %gather3A_375, %select_n3A_368 : vector<16xf32>
      %eq3A_380 = arith.cmpf oeq, %gather3A_375, %select_n3A_368 : vector<16xf32>
      %lt3A_381 = arith.cmpi slt, %gather3A_378, %select_n3A_369 : vector<16xi32>
      %and3A_382 = arith.andi %eq3A_380, %lt3A_381 : vector<16xi1>
      %or3A_383 = arith.ori %gt3A_379, %and3A_382 : vector<16xi1>
      %select_n3A_384 = arith.select %or3A_383, %gather3A_375, %select_n3A_368 : vector<16xi1>, vector<16xf32>
      %select_n3A_385 = arith.select %or3A_383, %gather3A_378, %select_n3A_369 : vector<16xi1>, vector<16xi32>
      %eq3A_386 = arith.constant 4 : i32
      %eq3A_387 = vector.broadcast %eq3A_386 : i32 to vector<16xi32>
      %eq3A_388 = arith.cmpi eq, %iota3A, %eq3A_387 : vector<16xi32>
      %select_n3A_389 = arith.select %eq3A_388, %select_n3A_385, %select_n3A_310 : vector<16xi1>, vector<16xi32>
      %get3A_390 = arith.constant 5 : i32
      %get3A_391 = arith.index_cast %get3A_390 : i32 to index
      %get3A_392 = arith.constant 0 : index
      %get3A_393 = tpu.vector_load %arg4[%get3A_391, %get3A_392] {strides = array<i32>} : memref<8x512xf32, #tpu.memory_space<vmem>>, vector<1x16xf32>,
      %get3A_394 = vector.shape_cast %get3A_393 : vector<1x16xf32> to vector<16xf32>
      %scan3A_395 = arith.constant 1 : i32
      %scan3A_396 = arith.constant 31 : i32
      %scan3A_397 = arith.addi %scan3A_395, %scan3A_396 : i32
      %scan3A_398 = arith.constant 1 : i32
      %scan3A_399:2 = scf.for %scan3A_630 = %scan3A_395 to %scan3A_397 step %scan3A_398 iter_args(%scan3A_631 = %get3A_394, %scan3A_632 = %iota3A) -> (vector<16xf32>, vector<16xi32>)  : i32 {
        %mul3A_633 = arith.constant 16 : i32
        %mul3A_634 = arith.muli %scan3A_630, %mul3A_633 : i32
        %get3A_635 = arith.constant 5 : i32
        %get3A_636 = arith.index_cast %get3A_635 : i32 to index
        %get3A_637 = arith.index_cast %mul3A_634 : i32 to index
        %get3A_638 = tpu.vector_load %arg4[%get3A_636, %get3A_637] {strides = array<i32>} : memref<8x512xf32, #tpu.memory_space<vmem>>, vector<1x16xf32>,
        %get3A_639 = vector.shape_cast %get3A_638 : vector<1x16xf32> to vector<16xf32>
        %mul3A_640 = arith.constant 16 : i32
        %mul3A_641 = arith.muli %scan3A_630, %mul3A_640 : i32
        %add3A_642 = vector.broadcast %mul3A_641 : i32 to vector<16xi32>
        %add3A_643 = arith.addi %add3A_642, %iota3A : vector<16xi32>
        %gt3A_644 = arith.cmpf ogt, %get3A_639, %scan3A_631 : vector<16xf32>
        %select_n3A_645 = arith.select %gt3A_644, %get3A_639, %scan3A_631 : vector<16xi1>, vector<16xf32>
        %select_n3A_646 = arith.select %gt3A_644, %add3A_643, %scan3A_632 : vector<16xi1>, vector<16xi32>
        scf.yield %select_n3A_645, %select_n3A_646 : vector<16xf32>, vector<16xi32>
      }
      %scan3A_400 = arith.constant 31 : i32
      %xor3A_401 = arith.constant 8 : i32
      %xor3A_402 = vector.broadcast %xor3A_401 : i32 to vector<16xi32>
      %xor3A_403 = arith.xori %iota3A, %xor3A_402 : vector<16xi32>
      %broadcast_in_dim3A_404 = vector.shape_cast %xor3A_403 : vector<16xi32> to vector<16x1xi32>
      %gather3A_405 = vector.shape_cast %broadcast_in_dim3A_404 : vector<16x1xi32> to vector<16xi32>
      %gather3A_406 = tpu.dynamic_gather %scan3A_399#0[%gather3A_405] in [0] : vector<16xf32>, vector<16xi32> -> vector<16xf32>
      %broadcast_in_dim3A_407 = vector.shape_cast %xor3A_403 : vector<16xi32> to vector<16x1xi32>
      %gather3A_408 = vector.shape_cast %broadcast_in_dim3A_407 : vector<16x1xi32> to vector<16xi32>
      %gather3A_409 = tpu.dynamic_gather %scan3A_399#1[%gather3A_408] in [0] : vector<16xi32>, vector<16xi32> -> vector<16xi32>
      %gt3A_410 = arith.cmpf ogt, %gather3A_406, %scan3A_399#0 : vector<16xf32>
      %eq3A_411 = arith.cmpf oeq, %gather3A_406, %scan3A_399#0 : vector<16xf32>
      %lt3A_412 = arith.cmpi slt, %gather3A_409, %scan3A_399#1 : vector<16xi32>
      %and3A_413 = arith.andi %eq3A_411, %lt3A_412 : vector<16xi1>
      %or3A_414 = arith.ori %gt3A_410, %and3A_413 : vector<16xi1>
      %select_n3A_415 = arith.select %or3A_414, %gather3A_406, %scan3A_399#0 : vector<16xi1>, vector<16xf32>
      %select_n3A_416 = arith.select %or3A_414, %gather3A_409, %scan3A_399#1 : vector<16xi1>, vector<16xi32>
      %xor3A_417 = arith.constant 4 : i32
      %xor3A_418 = vector.broadcast %xor3A_417 : i32 to vector<16xi32>
      %xor3A_419 = arith.xori %iota3A, %xor3A_418 : vector<16xi32>
      %broadcast_in_dim3A_420 = vector.shape_cast %xor3A_419 : vector<16xi32> to vector<16x1xi32>
      %gather3A_421 = vector.shape_cast %broadcast_in_dim3A_420 : vector<16x1xi32> to vector<16xi32>
      %gather3A_422 = tpu.dynamic_gather %select_n3A_415[%gather3A_421] in [0] : vector<16xf32>, vector<16xi32> -> vector<16xf32>
      %broadcast_in_dim3A_423 = vector.shape_cast %xor3A_419 : vector<16xi32> to vector<16x1xi32>
      %gather3A_424 = vector.shape_cast %broadcast_in_dim3A_423 : vector<16x1xi32> to vector<16xi32>
      %gather3A_425 = tpu.dynamic_gather %select_n3A_416[%gather3A_424] in [0] : vector<16xi32>, vector<16xi32> -> vector<16xi32>
      %gt3A_426 = arith.cmpf ogt, %gather3A_422, %select_n3A_415 : vector<16xf32>
      %eq3A_427 = arith.cmpf oeq, %gather3A_422, %select_n3A_415 : vector<16xf32>
      %lt3A_428 = arith.cmpi slt, %gather3A_425, %select_n3A_416 : vector<16xi32>
      %and3A_429 = arith.andi %eq3A_427, %lt3A_428 : vector<16xi1>
      %or3A_430 = arith.ori %gt3A_426, %and3A_429 : vector<16xi1>
      %select_n3A_431 = arith.select %or3A_430, %gather3A_422, %select_n3A_415 : vector<16xi1>, vector<16xf32>
      %select_n3A_432 = arith.select %or3A_430, %gather3A_425, %select_n3A_416 : vector<16xi1>, vector<16xi32>
      %xor3A_433 = arith.constant 2 : i32
      %xor3A_434 = vector.broadcast %xor3A_433 : i32 to vector<16xi32>
      %xor3A_435 = arith.xori %iota3A, %xor3A_434 : vector<16xi32>
      %broadcast_in_dim3A_436 = vector.shape_cast %xor3A_435 : vector<16xi32> to vector<16x1xi32>
      %gather3A_437 = vector.shape_cast %broadcast_in_dim3A_436 : vector<16x1xi32> to vector<16xi32>
      %gather3A_438 = tpu.dynamic_gather %select_n3A_431[%gather3A_437] in [0] : vector<16xf32>, vector<16xi32> -> vector<16xf32>
      %broadcast_in_dim3A_439 = vector.shape_cast %xor3A_435 : vector<16xi32> to vector<16x1xi32>
      %gather3A_440 = vector.shape_cast %broadcast_in_dim3A_439 : vector<16x1xi32> to vector<16xi32>
      %gather3A_441 = tpu.dynamic_gather %select_n3A_432[%gather3A_440] in [0] : vector<16xi32>, vector<16xi32> -> vector<16xi32>
      %gt3A_442 = arith.cmpf ogt, %gather3A_438, %select_n3A_431 : vector<16xf32>
      %eq3A_443 = arith.cmpf oeq, %gather3A_438, %select_n3A_431 : vector<16xf32>
      %lt3A_444 = arith.cmpi slt, %gather3A_441, %select_n3A_432 : vector<16xi32>
      %and3A_445 = arith.andi %eq3A_443, %lt3A_444 : vector<16xi1>
      %or3A_446 = arith.ori %gt3A_442, %and3A_445 : vector<16xi1>
      %select_n3A_447 = arith.select %or3A_446, %gather3A_438, %select_n3A_431 : vector<16xi1>, vector<16xf32>
      %select_n3A_448 = arith.select %or3A_446, %gather3A_441, %select_n3A_432 : vector<16xi1>, vector<16xi32>
      %xor3A_449 = arith.constant 1 : i32
      %xor3A_450 = vector.broadcast %xor3A_449 : i32 to vector<16xi32>
      %xor3A_451 = arith.xori %iota3A, %xor3A_450 : vector<16xi32>
      %broadcast_in_dim3A_452 = vector.shape_cast %xor3A_451 : vector<16xi32> to vector<16x1xi32>
      %gather3A_453 = vector.shape_cast %broadcast_in_dim3A_452 : vector<16x1xi32> to vector<16xi32>
      %gather3A_454 = tpu.dynamic_gather %select_n3A_447[%gather3A_453] in [0] : vector<16xf32>, vector<16xi32> -> vector<16xf32>
      %broadcast_in_dim3A_455 = vector.shape_cast %xor3A_451 : vector<16xi32> to vector<16x1xi32>
      %gather3A_456 = vector.shape_cast %broadcast_in_dim3A_455 : vector<16x1xi32> to vector<16xi32>
      %gather3A_457 = tpu.dynamic_gather %select_n3A_448[%gather3A_456] in [0] : vector<16xi32>, vector<16xi32> -> vector<16xi32>
      %gt3A_458 = arith.cmpf ogt, %gather3A_454, %select_n3A_447 : vector<16xf32>
      %eq3A_459 = arith.cmpf oeq, %gather3A_454, %select_n3A_447 : vector<16xf32>
      %lt3A_460 = arith.cmpi slt, %gather3A_457, %select_n3A_448 : vector<16xi32>
      %and3A_461 = arith.andi %eq3A_459, %lt3A_460 : vector<16xi1>
      %or3A_462 = arith.ori %gt3A_458, %and3A_461 : vector<16xi1>
      %select_n3A_463 = arith.select %or3A_462, %gather3A_454, %select_n3A_447 : vector<16xi1>, vector<16xf32>
      %select_n3A_464 = arith.select %or3A_462, %gather3A_457, %select_n3A_448 : vector<16xi1>, vector<16xi32>
      %eq3A_465 = arith.constant 5 : i32
      %eq3A_466 = vector.broadcast %eq3A_465 : i32 to vector<16xi32>
      %eq3A_467 = arith.cmpi eq, %iota3A, %eq3A_466 : vector<16xi32>
      %select_n3A_468 = arith.select %eq3A_467, %select_n3A_464, %select_n3A_389 : vector<16xi1>, vector<16xi32>
      %get3A_469 = arith.constant 6 : i32
      %get3A_470 = arith.index_cast %get3A_469 : i32 to index
      %get3A_471 = arith.constant 0 : index
      %get3A_472 = tpu.vector_load %arg4[%get3A_470, %get3A_471] {strides = array<i32>} : memref<8x512xf32, #tpu.memory_space<vmem>>, vector<1x16xf32>,
      %get3A_473 = vector.shape_cast %get3A_472 : vector<1x16xf32> to vector<16xf32>
      %scan3A_474 = arith.constant 1 : i32
      %scan3A_475 = arith.constant 31 : i32
      %scan3A_476 = arith.addi %scan3A_474, %scan3A_475 : i32
      %scan3A_477 = arith.constant 1 : i32
      %scan3A_478:2 = scf.for %scan3A_630 = %scan3A_474 to %scan3A_476 step %scan3A_477 iter_args(%scan3A_631 = %get3A_473, %scan3A_632 = %iota3A) -> (vector<16xf32>, vector<16xi32>)  : i32 {
        %mul3A_633 = arith.constant 16 : i32
        %mul3A_634 = arith.muli %scan3A_630, %mul3A_633 : i32
        %get3A_635 = arith.constant 6 : i32
        %get3A_636 = arith.index_cast %get3A_635 : i32 to index
        %get3A_637 = arith.index_cast %mul3A_634 : i32 to index
        %get3A_638 = tpu.vector_load %arg4[%get3A_636, %get3A_637] {strides = array<i32>} : memref<8x512xf32, #tpu.memory_space<vmem>>, vector<1x16xf32>,
        %get3A_639 = vector.shape_cast %get3A_638 : vector<1x16xf32> to vector<16xf32>
        %mul3A_640 = arith.constant 16 : i32
        %mul3A_641 = arith.muli %scan3A_630, %mul3A_640 : i32
        %add3A_642 = vector.broadcast %mul3A_641 : i32 to vector<16xi32>
        %add3A_643 = arith.addi %add3A_642, %iota3A : vector<16xi32>
        %gt3A_644 = arith.cmpf ogt, %get3A_639, %scan3A_631 : vector<16xf32>
        %select_n3A_645 = arith.select %gt3A_644, %get3A_639, %scan3A_631 : vector<16xi1>, vector<16xf32>
        %select_n3A_646 = arith.select %gt3A_644, %add3A_643, %scan3A_632 : vector<16xi1>, vector<16xi32>
        scf.yield %select_n3A_645, %select_n3A_646 : vector<16xf32>, vector<16xi32>
      }
      %scan3A_479 = arith.constant 31 : i32
      %xor3A_480 = arith.constant 8 : i32
      %xor3A_481 = vector.broadcast %xor3A_480 : i32 to vector<16xi32>
      %xor3A_482 = arith.xori %iota3A, %xor3A_481 : vector<16xi32>
      %broadcast_in_dim3A_483 = vector.shape_cast %xor3A_482 : vector<16xi32> to vector<16x1xi32>
      %gather3A_484 = vector.shape_cast %broadcast_in_dim3A_483 : vector<16x1xi32> to vector<16xi32>
      %gather3A_485 = tpu.dynamic_gather %scan3A_478#0[%gather3A_484] in [0] : vector<16xf32>, vector<16xi32> -> vector<16xf32>
      %broadcast_in_dim3A_486 = vector.shape_cast %xor3A_482 : vector<16xi32> to vector<16x1xi32>
      %gather3A_487 = vector.shape_cast %broadcast_in_dim3A_486 : vector<16x1xi32> to vector<16xi32>
      %gather3A_488 = tpu.dynamic_gather %scan3A_478#1[%gather3A_487] in [0] : vector<16xi32>, vector<16xi32> -> vector<16xi32>
      %gt3A_489 = arith.cmpf ogt, %gather3A_485, %scan3A_478#0 : vector<16xf32>
      %eq3A_490 = arith.cmpf oeq, %gather3A_485, %scan3A_478#0 : vector<16xf32>
      %lt3A_491 = arith.cmpi slt, %gather3A_488, %scan3A_478#1 : vector<16xi32>
      %and3A_492 = arith.andi %eq3A_490, %lt3A_491 : vector<16xi1>
      %or3A_493 = arith.ori %gt3A_489, %and3A_492 : vector<16xi1>
      %select_n3A_494 = arith.select %or3A_493, %gather3A_485, %scan3A_478#0 : vector<16xi1>, vector<16xf32>
      %select_n3A_495 = arith.select %or3A_493, %gather3A_488, %scan3A_478#1 : vector<16xi1>, vector<16xi32>
      %xor3A_496 = arith.constant 4 : i32
      %xor3A_497 = vector.broadcast %xor3A_496 : i32 to vector<16xi32>
      %xor3A_498 = arith.xori %iota3A, %xor3A_497 : vector<16xi32>
      %broadcast_in_dim3A_499 = vector.shape_cast %xor3A_498 : vector<16xi32> to vector<16x1xi32>
      %gather3A_500 = vector.shape_cast %broadcast_in_dim3A_499 : vector<16x1xi32> to vector<16xi32>
      %gather3A_501 = tpu.dynamic_gather %select_n3A_494[%gather3A_500] in [0] : vector<16xf32>, vector<16xi32> -> vector<16xf32>
      %broadcast_in_dim3A_502 = vector.shape_cast %xor3A_498 : vector<16xi32> to vector<16x1xi32>
      %gather3A_503 = vector.shape_cast %broadcast_in_dim3A_502 : vector<16x1xi32> to vector<16xi32>
      %gather3A_504 = tpu.dynamic_gather %select_n3A_495[%gather3A_503] in [0] : vector<16xi32>, vector<16xi32> -> vector<16xi32>
      %gt3A_505 = arith.cmpf ogt, %gather3A_501, %select_n3A_494 : vector<16xf32>
      %eq3A_506 = arith.cmpf oeq, %gather3A_501, %select_n3A_494 : vector<16xf32>
      %lt3A_507 = arith.cmpi slt, %gather3A_504, %select_n3A_495 : vector<16xi32>
      %and3A_508 = arith.andi %eq3A_506, %lt3A_507 : vector<16xi1>
      %or3A_509 = arith.ori %gt3A_505, %and3A_508 : vector<16xi1>
      %select_n3A_510 = arith.select %or3A_509, %gather3A_501, %select_n3A_494 : vector<16xi1>, vector<16xf32>
      %select_n3A_511 = arith.select %or3A_509, %gather3A_504, %select_n3A_495 : vector<16xi1>, vector<16xi32>
      %xor3A_512 = arith.constant 2 : i32
      %xor3A_513 = vector.broadcast %xor3A_512 : i32 to vector<16xi32>
      %xor3A_514 = arith.xori %iota3A, %xor3A_513 : vector<16xi32>
      %broadcast_in_dim3A_515 = vector.shape_cast %xor3A_514 : vector<16xi32> to vector<16x1xi32>
      %gather3A_516 = vector.shape_cast %broadcast_in_dim3A_515 : vector<16x1xi32> to vector<16xi32>
      %gather3A_517 = tpu.dynamic_gather %select_n3A_510[%gather3A_516] in [0] : vector<16xf32>, vector<16xi32> -> vector<16xf32>
      %broadcast_in_dim3A_518 = vector.shape_cast %xor3A_514 : vector<16xi32> to vector<16x1xi32>
      %gather3A_519 = vector.shape_cast %broadcast_in_dim3A_518 : vector<16x1xi32> to vector<16xi32>
      %gather3A_520 = tpu.dynamic_gather %select_n3A_511[%gather3A_519] in [0] : vector<16xi32>, vector<16xi32> -> vector<16xi32>
      %gt3A_521 = arith.cmpf ogt, %gather3A_517, %select_n3A_510 : vector<16xf32>
      %eq3A_522 = arith.cmpf oeq, %gather3A_517, %select_n3A_510 : vector<16xf32>
      %lt3A_523 = arith.cmpi slt, %gather3A_520, %select_n3A_511 : vector<16xi32>
      %and3A_524 = arith.andi %eq3A_522, %lt3A_523 : vector<16xi1>
      %or3A_525 = arith.ori %gt3A_521, %and3A_524 : vector<16xi1>
      %select_n3A_526 = arith.select %or3A_525, %gather3A_517, %select_n3A_510 : vector<16xi1>, vector<16xf32>
      %select_n3A_527 = arith.select %or3A_525, %gather3A_520, %select_n3A_511 : vector<16xi1>, vector<16xi32>
      %xor3A_528 = arith.constant 1 : i32
      %xor3A_529 = vector.broadcast %xor3A_528 : i32 to vector<16xi32>
      %xor3A_530 = arith.xori %iota3A, %xor3A_529 : vector<16xi32>
      %broadcast_in_dim3A_531 = vector.shape_cast %xor3A_530 : vector<16xi32> to vector<16x1xi32>
      %gather3A_532 = vector.shape_cast %broadcast_in_dim3A_531 : vector<16x1xi32> to vector<16xi32>
      %gather3A_533 = tpu.dynamic_gather %select_n3A_526[%gather3A_532] in [0] : vector<16xf32>, vector<16xi32> -> vector<16xf32>
      %broadcast_in_dim3A_534 = vector.shape_cast %xor3A_530 : vector<16xi32> to vector<16x1xi32>
      %gather3A_535 = vector.shape_cast %broadcast_in_dim3A_534 : vector<16x1xi32> to vector<16xi32>
      %gather3A_536 = tpu.dynamic_gather %select_n3A_527[%gather3A_535] in [0] : vector<16xi32>, vector<16xi32> -> vector<16xi32>
      %gt3A_537 = arith.cmpf ogt, %gather3A_533, %select_n3A_526 : vector<16xf32>
      %eq3A_538 = arith.cmpf oeq, %gather3A_533, %select_n3A_526 : vector<16xf32>
      %lt3A_539 = arith.cmpi slt, %gather3A_536, %select_n3A_527 : vector<16xi32>
      %and3A_540 = arith.andi %eq3A_538, %lt3A_539 : vector<16xi1>
      %or3A_541 = arith.ori %gt3A_537, %and3A_540 : vector<16xi1>
      %select_n3A_542 = arith.select %or3A_541, %gather3A_533, %select_n3A_526 : vector<16xi1>, vector<16xf32>
      %select_n3A_543 = arith.select %or3A_541, %gather3A_536, %select_n3A_527 : vector<16xi1>, vector<16xi32>
      %eq3A_544 = arith.constant 6 : i32
      %eq3A_545 = vector.broadcast %eq3A_544 : i32 to vector<16xi32>
      %eq3A_546 = arith.cmpi eq, %iota3A, %eq3A_545 : vector<16xi32>
      %select_n3A_547 = arith.select %eq3A_546, %select_n3A_543, %select_n3A_468 : vector<16xi1>, vector<16xi32>
      %get3A_548 = arith.constant 7 : i32
      %get3A_549 = arith.index_cast %get3A_548 : i32 to index
      %get3A_550 = arith.constant 0 : index
      %get3A_551 = tpu.vector_load %arg4[%get3A_549, %get3A_550] {strides = array<i32>} : memref<8x512xf32, #tpu.memory_space<vmem>>, vector<1x16xf32>,
      %get3A_552 = vector.shape_cast %get3A_551 : vector<1x16xf32> to vector<16xf32>
      %scan3A_553 = arith.constant 1 : i32
      %scan3A_554 = arith.constant 31 : i32
      %scan3A_555 = arith.addi %scan3A_553, %scan3A_554 : i32
      %scan3A_556 = arith.constant 1 : i32
      %scan3A_557:2 = scf.for %scan3A_630 = %scan3A_553 to %scan3A_555 step %scan3A_556 iter_args(%scan3A_631 = %get3A_552, %scan3A_632 = %iota3A) -> (vector<16xf32>, vector<16xi32>)  : i32 {
        %mul3A_633 = arith.constant 16 : i32
        %mul3A_634 = arith.muli %scan3A_630, %mul3A_633 : i32
        %get3A_635 = arith.constant 7 : i32
        %get3A_636 = arith.index_cast %get3A_635 : i32 to index
        %get3A_637 = arith.index_cast %mul3A_634 : i32 to index
        %get3A_638 = tpu.vector_load %arg4[%get3A_636, %get3A_637] {strides = array<i32>} : memref<8x512xf32, #tpu.memory_space<vmem>>, vector<1x16xf32>,
        %get3A_639 = vector.shape_cast %get3A_638 : vector<1x16xf32> to vector<16xf32>
        %mul3A_640 = arith.constant 16 : i32
        %mul3A_641 = arith.muli %scan3A_630, %mul3A_640 : i32
        %add3A_642 = vector.broadcast %mul3A_641 : i32 to vector<16xi32>
        %add3A_643 = arith.addi %add3A_642, %iota3A : vector<16xi32>
        %gt3A_644 = arith.cmpf ogt, %get3A_639, %scan3A_631 : vector<16xf32>
        %select_n3A_645 = arith.select %gt3A_644, %get3A_639, %scan3A_631 : vector<16xi1>, vector<16xf32>
        %select_n3A_646 = arith.select %gt3A_644, %add3A_643, %scan3A_632 : vector<16xi1>, vector<16xi32>
        scf.yield %select_n3A_645, %select_n3A_646 : vector<16xf32>, vector<16xi32>
      }
      %scan3A_558 = arith.constant 31 : i32
      %xor3A_559 = arith.constant 8 : i32
      %xor3A_560 = vector.broadcast %xor3A_559 : i32 to vector<16xi32>
      %xor3A_561 = arith.xori %iota3A, %xor3A_560 : vector<16xi32>
      %broadcast_in_dim3A_562 = vector.shape_cast %xor3A_561 : vector<16xi32> to vector<16x1xi32>
      %gather3A_563 = vector.shape_cast %broadcast_in_dim3A_562 : vector<16x1xi32> to vector<16xi32>
      %gather3A_564 = tpu.dynamic_gather %scan3A_557#0[%gather3A_563] in [0] : vector<16xf32>, vector<16xi32> -> vector<16xf32>
      %broadcast_in_dim3A_565 = vector.shape_cast %xor3A_561 : vector<16xi32> to vector<16x1xi32>
      %gather3A_566 = vector.shape_cast %broadcast_in_dim3A_565 : vector<16x1xi32> to vector<16xi32>
      %gather3A_567 = tpu.dynamic_gather %scan3A_557#1[%gather3A_566] in [0] : vector<16xi32>, vector<16xi32> -> vector<16xi32>
      %gt3A_568 = arith.cmpf ogt, %gather3A_564, %scan3A_557#0 : vector<16xf32>
      %eq3A_569 = arith.cmpf oeq, %gather3A_564, %scan3A_557#0 : vector<16xf32>
      %lt3A_570 = arith.cmpi slt, %gather3A_567, %scan3A_557#1 : vector<16xi32>
      %and3A_571 = arith.andi %eq3A_569, %lt3A_570 : vector<16xi1>
      %or3A_572 = arith.ori %gt3A_568, %and3A_571 : vector<16xi1>
      %select_n3A_573 = arith.select %or3A_572, %gather3A_564, %scan3A_557#0 : vector<16xi1>, vector<16xf32>
      %select_n3A_574 = arith.select %or3A_572, %gather3A_567, %scan3A_557#1 : vector<16xi1>, vector<16xi32>
      %xor3A_575 = arith.constant 4 : i32
      %xor3A_576 = vector.broadcast %xor3A_575 : i32 to vector<16xi32>
      %xor3A_577 = arith.xori %iota3A, %xor3A_576 : vector<16xi32>
      %broadcast_in_dim3A_578 = vector.shape_cast %xor3A_577 : vector<16xi32> to vector<16x1xi32>
      %gather3A_579 = vector.shape_cast %broadcast_in_dim3A_578 : vector<16x1xi32> to vector<16xi32>
      %gather3A_580 = tpu.dynamic_gather %select_n3A_573[%gather3A_579] in [0] : vector<16xf32>, vector<16xi32> -> vector<16xf32>
      %broadcast_in_dim3A_581 = vector.shape_cast %xor3A_577 : vector<16xi32> to vector<16x1xi32>
      %gather3A_582 = vector.shape_cast %broadcast_in_dim3A_581 : vector<16x1xi32> to vector<16xi32>
      %gather3A_583 = tpu.dynamic_gather %select_n3A_574[%gather3A_582] in [0] : vector<16xi32>, vector<16xi32> -> vector<16xi32>
      %gt3A_584 = arith.cmpf ogt, %gather3A_580, %select_n3A_573 : vector<16xf32>
      %eq3A_585 = arith.cmpf oeq, %gather3A_580, %select_n3A_573 : vector<16xf32>
      %lt3A_586 = arith.cmpi slt, %gather3A_583, %select_n3A_574 : vector<16xi32>
      %and3A_587 = arith.andi %eq3A_585, %lt3A_586 : vector<16xi1>
      %or3A_588 = arith.ori %gt3A_584, %and3A_587 : vector<16xi1>
      %select_n3A_589 = arith.select %or3A_588, %gather3A_580, %select_n3A_573 : vector<16xi1>, vector<16xf32>
      %select_n3A_590 = arith.select %or3A_588, %gather3A_583, %select_n3A_574 : vector<16xi1>, vector<16xi32>
      %xor3A_591 = arith.constant 2 : i32
      %xor3A_592 = vector.broadcast %xor3A_591 : i32 to vector<16xi32>
      %xor3A_593 = arith.xori %iota3A, %xor3A_592 : vector<16xi32>
      %broadcast_in_dim3A_594 = vector.shape_cast %xor3A_593 : vector<16xi32> to vector<16x1xi32>
      %gather3A_595 = vector.shape_cast %broadcast_in_dim3A_594 : vector<16x1xi32> to vector<16xi32>
      %gather3A_596 = tpu.dynamic_gather %select_n3A_589[%gather3A_595] in [0] : vector<16xf32>, vector<16xi32> -> vector<16xf32>
      %broadcast_in_dim3A_597 = vector.shape_cast %xor3A_593 : vector<16xi32> to vector<16x1xi32>
      %gather3A_598 = vector.shape_cast %broadcast_in_dim3A_597 : vector<16x1xi32> to vector<16xi32>
      %gather3A_599 = tpu.dynamic_gather %select_n3A_590[%gather3A_598] in [0] : vector<16xi32>, vector<16xi32> -> vector<16xi32>
      %gt3A_600 = arith.cmpf ogt, %gather3A_596, %select_n3A_589 : vector<16xf32>
      %eq3A_601 = arith.cmpf oeq, %gather3A_596, %select_n3A_589 : vector<16xf32>
      %lt3A_602 = arith.cmpi slt, %gather3A_599, %select_n3A_590 : vector<16xi32>
      %and3A_603 = arith.andi %eq3A_601, %lt3A_602 : vector<16xi1>
      %or3A_604 = arith.ori %gt3A_600, %and3A_603 : vector<16xi1>
      %select_n3A_605 = arith.select %or3A_604, %gather3A_596, %select_n3A_589 : vector<16xi1>, vector<16xf32>
      %select_n3A_606 = arith.select %or3A_604, %gather3A_599, %select_n3A_590 : vector<16xi1>, vector<16xi32>
      %xor3A_607 = arith.constant 1 : i32
      %xor3A_608 = vector.broadcast %xor3A_607 : i32 to vector<16xi32>
      %xor3A_609 = arith.xori %iota3A, %xor3A_608 : vector<16xi32>
      %broadcast_in_dim3A_610 = vector.shape_cast %xor3A_609 : vector<16xi32> to vector<16x1xi32>
      %gather3A_611 = vector.shape_cast %broadcast_in_dim3A_610 : vector<16x1xi32> to vector<16xi32>
      %gather3A_612 = tpu.dynamic_gather %select_n3A_605[%gather3A_611] in [0] : vector<16xf32>, vector<16xi32> -> vector<16xf32>
      %broadcast_in_dim3A_613 = vector.shape_cast %xor3A_609 : vector<16xi32> to vector<16x1xi32>
      %gather3A_614 = vector.shape_cast %broadcast_in_dim3A_613 : vector<16x1xi32> to vector<16xi32>
      %gather3A_615 = tpu.dynamic_gather %select_n3A_606[%gather3A_614] in [0] : vector<16xi32>, vector<16xi32> -> vector<16xi32>
      %gt3A_616 = arith.cmpf ogt, %gather3A_612, %select_n3A_605 : vector<16xf32>
      %eq3A_617 = arith.cmpf oeq, %gather3A_612, %select_n3A_605 : vector<16xf32>
      %lt3A_618 = arith.cmpi slt, %gather3A_615, %select_n3A_606 : vector<16xi32>
      %and3A_619 = arith.andi %eq3A_617, %lt3A_618 : vector<16xi1>
      %or3A_620 = arith.ori %gt3A_616, %and3A_619 : vector<16xi1>
      %select_n3A_621 = arith.select %or3A_620, %gather3A_612, %select_n3A_605 : vector<16xi1>, vector<16xf32>
      %select_n3A_622 = arith.select %or3A_620, %gather3A_615, %select_n3A_606 : vector<16xi1>, vector<16xi32>
      %eq3A_623 = arith.constant 7 : i32
      %eq3A_624 = vector.broadcast %eq3A_623 : i32 to vector<16xi32>
      %eq3A_625 = arith.cmpi eq, %iota3A, %eq3A_624 : vector<16xi32>
      %select_n3A_626 = arith.select %eq3A_625, %select_n3A_622, %select_n3A_547 : vector<16xi1>, vector<16xi32>
      %swap3A = arith.constant 0 : index
      %swap3A_627 = tpu.vector_load %arg5[%swap3A] {strides = array<i32>} : memref<16xi32, #tpu.memory_space<vmem>>, vector<16xi32>,
      %swap3A_628 = vector.shape_cast %swap3A_627 : vector<16xi32> to vector<16xi32>
      %swap3A_629 = vector.shape_cast %select_n3A_626 : vector<16xi32> to vector<16xi32>
      tpu.vector_store %arg5[%swap3A], %swap3A_629 {strides = array<i32>} : memref<16xi32, #tpu.memory_space<vmem>>, vector<16xi32>,
      "tpu.region"() ({
        %run_scoped3A = tpu.sem_alloc : memref<!tpu.dma_semaphore, #tpu.memory_space<semaphore_mem>>
        %dma_start3A = arith.constant 0 : i32
        %dma_start3A_630 = tpu.memref_slice %arg5[%dma_start3A] : memref<16xi32, #tpu.memory_space<vmem>> -> memref<8xi32, #tpu.memory_space<vmem>>
        %dma_start3A_631 = tpu.memref_slice %arg3[%mul3A_4] : memref<128xi32, #tpu.memory_space<hbm>> -> memref<8xi32, #tpu.memory_space<hbm>>
        %dma_start3A_632 = tpu.memref_slice %arg3[%mul3A_4] : memref<128xi32, #tpu.memory_space<hbm>> -> memref<8xi32, #tpu.memory_space<hbm>>
        %dma_start3A_633 = arith.constant 0 : i32
        %dma_start3A_634 = tpu.memref_slice %arg5[%dma_start3A_633] : memref<16xi32, #tpu.memory_space<vmem>> -> memref<8xi32, #tpu.memory_space<vmem>>
        tpu.enqueue_dma source(%dma_start3A_634 : memref<8xi32, #tpu.memory_space<vmem>>) target(%dma_start3A_632 : memref<8xi32, #tpu.memory_space<hbm>>) target_semaphore(%run_scoped3A : memref<!tpu.dma_semaphore, #tpu.memory_space<semaphore_mem>>)
        %dma_wait3A = arith.constant 0 : i32
        %dma_wait3A_635 = tpu.memref_slice %arg5[%dma_wait3A] : memref<16xi32, #tpu.memory_space<vmem>> -> memref<8xi32, #tpu.memory_space<vmem>>
        %dma_wait3A_636 = tpu.memref_slice %arg3[%mul3A_4] : memref<128xi32, #tpu.memory_space<hbm>> -> memref<8xi32, #tpu.memory_space<hbm>>
        %dma_wait3A_637 = tpu.memref_slice %arg3[%mul3A_4] : memref<128xi32, #tpu.memory_space<hbm>> -> memref<8xi32, #tpu.memory_space<hbm>>
        %dma_wait3A_638 = arith.constant 0 : i32
        %dma_wait3A_639 = tpu.memref_slice %arg5[%dma_wait3A_638] : memref<16xi32, #tpu.memory_space<vmem>> -> memref<8xi32, #tpu.memory_space<vmem>>
        tpu.wait_dma2 semaphore(%run_scoped3A : memref<!tpu.dma_semaphore, #tpu.memory_space<semaphore_mem>>) src(%dma_wait3A_639 : memref<8xi32, #tpu.memory_space<vmem>>) dst(%dma_wait3A_637 : memref<8xi32, #tpu.memory_space<hbm>>)
        tpu.yield
      }) : () -> ()
    } else {
    }
    return
  }
}

module attributes {stable_mosaic.version = 14 : i64} {
  func.func @_tc_body(%arg0: i32, %arg1: memref<128xi32, #tpu.memory_space<smem>>, %arg2: memref<8x7x7x512xf32, #tpu.memory_space<vmem>>, %arg3: memref<8x7x7x512xf32, #tpu.memory_space<vmem>>, %arg4: memref<8x7x7x512xf32, #tpu.memory_space<vmem>>) attributes {dimension_semantics = [#tpu.dimension_semantics<arbitrary>], iteration_bounds = array<i64: 16>, scalar_prefetch = 1 : i64, scratch_operands = 0 : i64, tpu.core_type = #tpu.core_type<tc>, window_params = [{transform_indices = @transform_0, window_bounds = array<i64: 8, 7, 7, 512>}, {transform_indices = @transform_1, window_bounds = array<i64: 8, 7, 7, 512>}, {transform_indices = @transform_2, window_bounds = array<i64: 8, 7, 7, 512>}]} {
    %iota3A = tpu.iota {dimensions = array<i32: 2>} : vector<7x7x512xi32>
    %mul3A = arith.constant 8 : i32
    %mul3A_0 = arith.muli %arg0, %mul3A : i32
    %add3A = arith.constant 0 : i32
    %add3A_1 = arith.addi %mul3A_0, %add3A : i32
    %get3A = arith.index_cast %add3A_1 : i32 to index
    %get3A_2 = memref.load %arg1[%get3A] : memref<128xi32, #tpu.memory_space<smem>>
    %eq3A = vector.broadcast %get3A_2 : i32 to vector<7x7x512xi32>
    %eq3A_3 = arith.cmpi eq, %iota3A, %eq3A : vector<7x7x512xi32>
    %get3A_4 = arith.constant 0 : index
    %get3A_5 = arith.constant 0 : index
    %get3A_6 = arith.constant 0 : index
    %get3A_7 = arith.constant 0 : index
    %get3A_8 = vector.load %arg2[%get3A_4, %get3A_5, %get3A_6, %get3A_7] : memref<8x7x7x512xf32, #tpu.memory_space<vmem>>, vector<1x7x7x512xf32>
    %get3A_9 = vector.shape_cast %get3A_8 : vector<1x7x7x512xf32> to vector<7x7x512xf32>
    %jit3A = arith.constant 0.000000e+00 : f32
    %broadcast_in_dim3A = vector.broadcast %jit3A : f32 to vector<7x7x512xf32>
    %select_n3A = arith.select %eq3A_3, %get3A_9, %broadcast_in_dim3A : vector<7x7x512xi1>, vector<7x7x512xf32>
    %reduce_sum3A = arith.constant dense<0.000000e+00> : vector<7x7xf32>
    %reduce_sum3A_10 = vector.multi_reduction <add>, %select_n3A, %reduce_sum3A [2] : vector<7x7x512xf32> to vector<7x7xf32>
    %broadcast_in_dim3A_11 = vector.shape_cast %reduce_sum3A_10 : vector<7x7xf32> to vector<7x7x1xf32>
    %gt3A = arith.constant 5.000000e-01 : f32
    %gt3A_12 = vector.broadcast %gt3A : f32 to vector<7x7x1xf32>
    %gt3A_13 = arith.cmpf ogt, %broadcast_in_dim3A_11, %gt3A_12 : vector<7x7x1xf32>
    %jit3A_14 = arith.constant 0.000000e+00 : f32
    %broadcast_in_dim3A_15 = vector.broadcast %jit3A_14 : f32 to vector<7x7x1xf32>
    %select_n3A_16 = arith.select %gt3A_13, %broadcast_in_dim3A_11, %broadcast_in_dim3A_15 : vector<7x7x1xi1>, vector<7x7x1xf32>
    %get3A_17 = arith.constant 0 : index
    %get3A_18 = arith.constant 0 : index
    %get3A_19 = arith.constant 0 : index
    %get3A_20 = arith.constant 0 : index
    %get3A_21 = vector.load %arg3[%get3A_17, %get3A_18, %get3A_19, %get3A_20] : memref<8x7x7x512xf32, #tpu.memory_space<vmem>>, vector<1x7x7x512xf32>
    %get3A_22 = vector.shape_cast %get3A_21 : vector<1x7x7x512xf32> to vector<7x7x512xf32>
    %sub3A = vector.broadcast %select_n3A_16 : vector<7x7x1xf32> to vector<7x7x512xf32>
    %sub3A_23 = arith.subf %get3A_22, %sub3A : vector<7x7x512xf32>
    %swap3A = arith.constant 0 : index
    %swap3A_24 = arith.constant 0 : index
    %swap3A_25 = arith.constant 0 : index
    %swap3A_26 = arith.constant 0 : index
    %swap3A_27 = vector.load %arg4[%swap3A, %swap3A_24, %swap3A_25, %swap3A_26] : memref<8x7x7x512xf32, #tpu.memory_space<vmem>>, vector<1x7x7x512xf32>
    %swap3A_28 = vector.shape_cast %swap3A_27 : vector<1x7x7x512xf32> to vector<7x7x512xf32>
    %swap3A_29 = vector.shape_cast %sub3A_23 : vector<7x7x512xf32> to vector<1x7x7x512xf32>
    tpu.vector_store %arg4[%swap3A, %swap3A_24, %swap3A_25, %swap3A_26], %swap3A_29 {strides = array<i32>} : memref<8x7x7x512xf32, #tpu.memory_space<vmem>>, vector<1x7x7x512xf32>,
    %mul3A_30 = arith.constant 8 : i32
    %mul3A_31 = arith.muli %arg0, %mul3A_30 : i32
    %add3A_32 = arith.constant 1 : i32
    %add3A_33 = arith.addi %mul3A_31, %add3A_32 : i32
    %get3A_34 = arith.index_cast %add3A_33 : i32 to index
    %get3A_35 = memref.load %arg1[%get3A_34] : memref<128xi32, #tpu.memory_space<smem>>
    %eq3A_36 = vector.broadcast %get3A_35 : i32 to vector<7x7x512xi32>
    %eq3A_37 = arith.cmpi eq, %iota3A, %eq3A_36 : vector<7x7x512xi32>
    %get3A_38 = arith.constant 1 : index
    %get3A_39 = arith.constant 0 : index
    %get3A_40 = arith.constant 0 : index
    %get3A_41 = arith.constant 0 : index
    %get3A_42 = vector.load %arg2[%get3A_38, %get3A_39, %get3A_40, %get3A_41] : memref<8x7x7x512xf32, #tpu.memory_space<vmem>>, vector<1x7x7x512xf32>
    %get3A_43 = vector.shape_cast %get3A_42 : vector<1x7x7x512xf32> to vector<7x7x512xf32>
    %jit3A_44 = arith.constant 0.000000e+00 : f32
    %broadcast_in_dim3A_45 = vector.broadcast %jit3A_44 : f32 to vector<7x7x512xf32>
    %select_n3A_46 = arith.select %eq3A_37, %get3A_43, %broadcast_in_dim3A_45 : vector<7x7x512xi1>, vector<7x7x512xf32>
    %reduce_sum3A_47 = arith.constant dense<0.000000e+00> : vector<7x7xf32>
    %reduce_sum3A_48 = vector.multi_reduction <add>, %select_n3A_46, %reduce_sum3A_47 [2] : vector<7x7x512xf32> to vector<7x7xf32>
    %broadcast_in_dim3A_49 = vector.shape_cast %reduce_sum3A_48 : vector<7x7xf32> to vector<7x7x1xf32>
    %gt3A_50 = arith.constant 5.000000e-01 : f32
    %gt3A_51 = vector.broadcast %gt3A_50 : f32 to vector<7x7x1xf32>
    %gt3A_52 = arith.cmpf ogt, %broadcast_in_dim3A_49, %gt3A_51 : vector<7x7x1xf32>
    %jit3A_53 = arith.constant 0.000000e+00 : f32
    %broadcast_in_dim3A_54 = vector.broadcast %jit3A_53 : f32 to vector<7x7x1xf32>
    %select_n3A_55 = arith.select %gt3A_52, %broadcast_in_dim3A_49, %broadcast_in_dim3A_54 : vector<7x7x1xi1>, vector<7x7x1xf32>
    %get3A_56 = arith.constant 1 : index
    %get3A_57 = arith.constant 0 : index
    %get3A_58 = arith.constant 0 : index
    %get3A_59 = arith.constant 0 : index
    %get3A_60 = vector.load %arg3[%get3A_56, %get3A_57, %get3A_58, %get3A_59] : memref<8x7x7x512xf32, #tpu.memory_space<vmem>>, vector<1x7x7x512xf32>
    %get3A_61 = vector.shape_cast %get3A_60 : vector<1x7x7x512xf32> to vector<7x7x512xf32>
    %sub3A_62 = vector.broadcast %select_n3A_55 : vector<7x7x1xf32> to vector<7x7x512xf32>
    %sub3A_63 = arith.subf %get3A_61, %sub3A_62 : vector<7x7x512xf32>
    %swap3A_64 = arith.constant 1 : index
    %swap3A_65 = arith.constant 0 : index
    %swap3A_66 = arith.constant 0 : index
    %swap3A_67 = arith.constant 0 : index
    %swap3A_68 = vector.load %arg4[%swap3A_64, %swap3A_65, %swap3A_66, %swap3A_67] : memref<8x7x7x512xf32, #tpu.memory_space<vmem>>, vector<1x7x7x512xf32>
    %swap3A_69 = vector.shape_cast %swap3A_68 : vector<1x7x7x512xf32> to vector<7x7x512xf32>
    %swap3A_70 = vector.shape_cast %sub3A_63 : vector<7x7x512xf32> to vector<1x7x7x512xf32>
    tpu.vector_store %arg4[%swap3A_64, %swap3A_65, %swap3A_66, %swap3A_67], %swap3A_70 {strides = array<i32>} : memref<8x7x7x512xf32, #tpu.memory_space<vmem>>, vector<1x7x7x512xf32>,
    %mul3A_71 = arith.constant 8 : i32
    %mul3A_72 = arith.muli %arg0, %mul3A_71 : i32
    %add3A_73 = arith.constant 2 : i32
    %add3A_74 = arith.addi %mul3A_72, %add3A_73 : i32
    %get3A_75 = arith.index_cast %add3A_74 : i32 to index
    %get3A_76 = memref.load %arg1[%get3A_75] : memref<128xi32, #tpu.memory_space<smem>>
    %eq3A_77 = vector.broadcast %get3A_76 : i32 to vector<7x7x512xi32>
    %eq3A_78 = arith.cmpi eq, %iota3A, %eq3A_77 : vector<7x7x512xi32>
    %get3A_79 = arith.constant 2 : index
    %get3A_80 = arith.constant 0 : index
    %get3A_81 = arith.constant 0 : index
    %get3A_82 = arith.constant 0 : index
    %get3A_83 = vector.load %arg2[%get3A_79, %get3A_80, %get3A_81, %get3A_82] : memref<8x7x7x512xf32, #tpu.memory_space<vmem>>, vector<1x7x7x512xf32>
    %get3A_84 = vector.shape_cast %get3A_83 : vector<1x7x7x512xf32> to vector<7x7x512xf32>
    %jit3A_85 = arith.constant 0.000000e+00 : f32
    %broadcast_in_dim3A_86 = vector.broadcast %jit3A_85 : f32 to vector<7x7x512xf32>
    %select_n3A_87 = arith.select %eq3A_78, %get3A_84, %broadcast_in_dim3A_86 : vector<7x7x512xi1>, vector<7x7x512xf32>
    %reduce_sum3A_88 = arith.constant dense<0.000000e+00> : vector<7x7xf32>
    %reduce_sum3A_89 = vector.multi_reduction <add>, %select_n3A_87, %reduce_sum3A_88 [2] : vector<7x7x512xf32> to vector<7x7xf32>
    %broadcast_in_dim3A_90 = vector.shape_cast %reduce_sum3A_89 : vector<7x7xf32> to vector<7x7x1xf32>
    %gt3A_91 = arith.constant 5.000000e-01 : f32
    %gt3A_92 = vector.broadcast %gt3A_91 : f32 to vector<7x7x1xf32>
    %gt3A_93 = arith.cmpf ogt, %broadcast_in_dim3A_90, %gt3A_92 : vector<7x7x1xf32>
    %jit3A_94 = arith.constant 0.000000e+00 : f32
    %broadcast_in_dim3A_95 = vector.broadcast %jit3A_94 : f32 to vector<7x7x1xf32>
    %select_n3A_96 = arith.select %gt3A_93, %broadcast_in_dim3A_90, %broadcast_in_dim3A_95 : vector<7x7x1xi1>, vector<7x7x1xf32>
    %get3A_97 = arith.constant 2 : index
    %get3A_98 = arith.constant 0 : index
    %get3A_99 = arith.constant 0 : index
    %get3A_100 = arith.constant 0 : index
    %get3A_101 = vector.load %arg3[%get3A_97, %get3A_98, %get3A_99, %get3A_100] : memref<8x7x7x512xf32, #tpu.memory_space<vmem>>, vector<1x7x7x512xf32>
    %get3A_102 = vector.shape_cast %get3A_101 : vector<1x7x7x512xf32> to vector<7x7x512xf32>
    %sub3A_103 = vector.broadcast %select_n3A_96 : vector<7x7x1xf32> to vector<7x7x512xf32>
    %sub3A_104 = arith.subf %get3A_102, %sub3A_103 : vector<7x7x512xf32>
    %swap3A_105 = arith.constant 2 : index
    %swap3A_106 = arith.constant 0 : index
    %swap3A_107 = arith.constant 0 : index
    %swap3A_108 = arith.constant 0 : index
    %swap3A_109 = vector.load %arg4[%swap3A_105, %swap3A_106, %swap3A_107, %swap3A_108] : memref<8x7x7x512xf32, #tpu.memory_space<vmem>>, vector<1x7x7x512xf32>
    %swap3A_110 = vector.shape_cast %swap3A_109 : vector<1x7x7x512xf32> to vector<7x7x512xf32>
    %swap3A_111 = vector.shape_cast %sub3A_104 : vector<7x7x512xf32> to vector<1x7x7x512xf32>
    tpu.vector_store %arg4[%swap3A_105, %swap3A_106, %swap3A_107, %swap3A_108], %swap3A_111 {strides = array<i32>} : memref<8x7x7x512xf32, #tpu.memory_space<vmem>>, vector<1x7x7x512xf32>,
    %mul3A_112 = arith.constant 8 : i32
    %mul3A_113 = arith.muli %arg0, %mul3A_112 : i32
    %add3A_114 = arith.constant 3 : i32
    %add3A_115 = arith.addi %mul3A_113, %add3A_114 : i32
    %get3A_116 = arith.index_cast %add3A_115 : i32 to index
    %get3A_117 = memref.load %arg1[%get3A_116] : memref<128xi32, #tpu.memory_space<smem>>
    %eq3A_118 = vector.broadcast %get3A_117 : i32 to vector<7x7x512xi32>
    %eq3A_119 = arith.cmpi eq, %iota3A, %eq3A_118 : vector<7x7x512xi32>
    %get3A_120 = arith.constant 3 : index
    %get3A_121 = arith.constant 0 : index
    %get3A_122 = arith.constant 0 : index
    %get3A_123 = arith.constant 0 : index
    %get3A_124 = vector.load %arg2[%get3A_120, %get3A_121, %get3A_122, %get3A_123] : memref<8x7x7x512xf32, #tpu.memory_space<vmem>>, vector<1x7x7x512xf32>
    %get3A_125 = vector.shape_cast %get3A_124 : vector<1x7x7x512xf32> to vector<7x7x512xf32>
    %jit3A_126 = arith.constant 0.000000e+00 : f32
    %broadcast_in_dim3A_127 = vector.broadcast %jit3A_126 : f32 to vector<7x7x512xf32>
    %select_n3A_128 = arith.select %eq3A_119, %get3A_125, %broadcast_in_dim3A_127 : vector<7x7x512xi1>, vector<7x7x512xf32>
    %reduce_sum3A_129 = arith.constant dense<0.000000e+00> : vector<7x7xf32>
    %reduce_sum3A_130 = vector.multi_reduction <add>, %select_n3A_128, %reduce_sum3A_129 [2] : vector<7x7x512xf32> to vector<7x7xf32>
    %broadcast_in_dim3A_131 = vector.shape_cast %reduce_sum3A_130 : vector<7x7xf32> to vector<7x7x1xf32>
    %gt3A_132 = arith.constant 5.000000e-01 : f32
    %gt3A_133 = vector.broadcast %gt3A_132 : f32 to vector<7x7x1xf32>
    %gt3A_134 = arith.cmpf ogt, %broadcast_in_dim3A_131, %gt3A_133 : vector<7x7x1xf32>
    %jit3A_135 = arith.constant 0.000000e+00 : f32
    %broadcast_in_dim3A_136 = vector.broadcast %jit3A_135 : f32 to vector<7x7x1xf32>
    %select_n3A_137 = arith.select %gt3A_134, %broadcast_in_dim3A_131, %broadcast_in_dim3A_136 : vector<7x7x1xi1>, vector<7x7x1xf32>
    %get3A_138 = arith.constant 3 : index
    %get3A_139 = arith.constant 0 : index
    %get3A_140 = arith.constant 0 : index
    %get3A_141 = arith.constant 0 : index
    %get3A_142 = vector.load %arg3[%get3A_138, %get3A_139, %get3A_140, %get3A_141] : memref<8x7x7x512xf32, #tpu.memory_space<vmem>>, vector<1x7x7x512xf32>
    %get3A_143 = vector.shape_cast %get3A_142 : vector<1x7x7x512xf32> to vector<7x7x512xf32>
    %sub3A_144 = vector.broadcast %select_n3A_137 : vector<7x7x1xf32> to vector<7x7x512xf32>
    %sub3A_145 = arith.subf %get3A_143, %sub3A_144 : vector<7x7x512xf32>
    %swap3A_146 = arith.constant 3 : index
    %swap3A_147 = arith.constant 0 : index
    %swap3A_148 = arith.constant 0 : index
    %swap3A_149 = arith.constant 0 : index
    %swap3A_150 = vector.load %arg4[%swap3A_146, %swap3A_147, %swap3A_148, %swap3A_149] : memref<8x7x7x512xf32, #tpu.memory_space<vmem>>, vector<1x7x7x512xf32>
    %swap3A_151 = vector.shape_cast %swap3A_150 : vector<1x7x7x512xf32> to vector<7x7x512xf32>
    %swap3A_152 = vector.shape_cast %sub3A_145 : vector<7x7x512xf32> to vector<1x7x7x512xf32>
    tpu.vector_store %arg4[%swap3A_146, %swap3A_147, %swap3A_148, %swap3A_149], %swap3A_152 {strides = array<i32>} : memref<8x7x7x512xf32, #tpu.memory_space<vmem>>, vector<1x7x7x512xf32>,
    %mul3A_153 = arith.constant 8 : i32
    %mul3A_154 = arith.muli %arg0, %mul3A_153 : i32
    %add3A_155 = arith.constant 4 : i32
    %add3A_156 = arith.addi %mul3A_154, %add3A_155 : i32
    %get3A_157 = arith.index_cast %add3A_156 : i32 to index
    %get3A_158 = memref.load %arg1[%get3A_157] : memref<128xi32, #tpu.memory_space<smem>>
    %eq3A_159 = vector.broadcast %get3A_158 : i32 to vector<7x7x512xi32>
    %eq3A_160 = arith.cmpi eq, %iota3A, %eq3A_159 : vector<7x7x512xi32>
    %get3A_161 = arith.constant 4 : index
    %get3A_162 = arith.constant 0 : index
    %get3A_163 = arith.constant 0 : index
    %get3A_164 = arith.constant 0 : index
    %get3A_165 = vector.load %arg2[%get3A_161, %get3A_162, %get3A_163, %get3A_164] : memref<8x7x7x512xf32, #tpu.memory_space<vmem>>, vector<1x7x7x512xf32>
    %get3A_166 = vector.shape_cast %get3A_165 : vector<1x7x7x512xf32> to vector<7x7x512xf32>
    %jit3A_167 = arith.constant 0.000000e+00 : f32
    %broadcast_in_dim3A_168 = vector.broadcast %jit3A_167 : f32 to vector<7x7x512xf32>
    %select_n3A_169 = arith.select %eq3A_160, %get3A_166, %broadcast_in_dim3A_168 : vector<7x7x512xi1>, vector<7x7x512xf32>
    %reduce_sum3A_170 = arith.constant dense<0.000000e+00> : vector<7x7xf32>
    %reduce_sum3A_171 = vector.multi_reduction <add>, %select_n3A_169, %reduce_sum3A_170 [2] : vector<7x7x512xf32> to vector<7x7xf32>
    %broadcast_in_dim3A_172 = vector.shape_cast %reduce_sum3A_171 : vector<7x7xf32> to vector<7x7x1xf32>
    %gt3A_173 = arith.constant 5.000000e-01 : f32
    %gt3A_174 = vector.broadcast %gt3A_173 : f32 to vector<7x7x1xf32>
    %gt3A_175 = arith.cmpf ogt, %broadcast_in_dim3A_172, %gt3A_174 : vector<7x7x1xf32>
    %jit3A_176 = arith.constant 0.000000e+00 : f32
    %broadcast_in_dim3A_177 = vector.broadcast %jit3A_176 : f32 to vector<7x7x1xf32>
    %select_n3A_178 = arith.select %gt3A_175, %broadcast_in_dim3A_172, %broadcast_in_dim3A_177 : vector<7x7x1xi1>, vector<7x7x1xf32>
    %get3A_179 = arith.constant 4 : index
    %get3A_180 = arith.constant 0 : index
    %get3A_181 = arith.constant 0 : index
    %get3A_182 = arith.constant 0 : index
    %get3A_183 = vector.load %arg3[%get3A_179, %get3A_180, %get3A_181, %get3A_182] : memref<8x7x7x512xf32, #tpu.memory_space<vmem>>, vector<1x7x7x512xf32>
    %get3A_184 = vector.shape_cast %get3A_183 : vector<1x7x7x512xf32> to vector<7x7x512xf32>
    %sub3A_185 = vector.broadcast %select_n3A_178 : vector<7x7x1xf32> to vector<7x7x512xf32>
    %sub3A_186 = arith.subf %get3A_184, %sub3A_185 : vector<7x7x512xf32>
    %swap3A_187 = arith.constant 4 : index
    %swap3A_188 = arith.constant 0 : index
    %swap3A_189 = arith.constant 0 : index
    %swap3A_190 = arith.constant 0 : index
    %swap3A_191 = vector.load %arg4[%swap3A_187, %swap3A_188, %swap3A_189, %swap3A_190] : memref<8x7x7x512xf32, #tpu.memory_space<vmem>>, vector<1x7x7x512xf32>
    %swap3A_192 = vector.shape_cast %swap3A_191 : vector<1x7x7x512xf32> to vector<7x7x512xf32>
    %swap3A_193 = vector.shape_cast %sub3A_186 : vector<7x7x512xf32> to vector<1x7x7x512xf32>
    tpu.vector_store %arg4[%swap3A_187, %swap3A_188, %swap3A_189, %swap3A_190], %swap3A_193 {strides = array<i32>} : memref<8x7x7x512xf32, #tpu.memory_space<vmem>>, vector<1x7x7x512xf32>,
    %mul3A_194 = arith.constant 8 : i32
    %mul3A_195 = arith.muli %arg0, %mul3A_194 : i32
    %add3A_196 = arith.constant 5 : i32
    %add3A_197 = arith.addi %mul3A_195, %add3A_196 : i32
    %get3A_198 = arith.index_cast %add3A_197 : i32 to index
    %get3A_199 = memref.load %arg1[%get3A_198] : memref<128xi32, #tpu.memory_space<smem>>
    %eq3A_200 = vector.broadcast %get3A_199 : i32 to vector<7x7x512xi32>
    %eq3A_201 = arith.cmpi eq, %iota3A, %eq3A_200 : vector<7x7x512xi32>
    %get3A_202 = arith.constant 5 : index
    %get3A_203 = arith.constant 0 : index
    %get3A_204 = arith.constant 0 : index
    %get3A_205 = arith.constant 0 : index
    %get3A_206 = vector.load %arg2[%get3A_202, %get3A_203, %get3A_204, %get3A_205] : memref<8x7x7x512xf32, #tpu.memory_space<vmem>>, vector<1x7x7x512xf32>
    %get3A_207 = vector.shape_cast %get3A_206 : vector<1x7x7x512xf32> to vector<7x7x512xf32>
    %jit3A_208 = arith.constant 0.000000e+00 : f32
    %broadcast_in_dim3A_209 = vector.broadcast %jit3A_208 : f32 to vector<7x7x512xf32>
    %select_n3A_210 = arith.select %eq3A_201, %get3A_207, %broadcast_in_dim3A_209 : vector<7x7x512xi1>, vector<7x7x512xf32>
    %reduce_sum3A_211 = arith.constant dense<0.000000e+00> : vector<7x7xf32>
    %reduce_sum3A_212 = vector.multi_reduction <add>, %select_n3A_210, %reduce_sum3A_211 [2] : vector<7x7x512xf32> to vector<7x7xf32>
    %broadcast_in_dim3A_213 = vector.shape_cast %reduce_sum3A_212 : vector<7x7xf32> to vector<7x7x1xf32>
    %gt3A_214 = arith.constant 5.000000e-01 : f32
    %gt3A_215 = vector.broadcast %gt3A_214 : f32 to vector<7x7x1xf32>
    %gt3A_216 = arith.cmpf ogt, %broadcast_in_dim3A_213, %gt3A_215 : vector<7x7x1xf32>
    %jit3A_217 = arith.constant 0.000000e+00 : f32
    %broadcast_in_dim3A_218 = vector.broadcast %jit3A_217 : f32 to vector<7x7x1xf32>
    %select_n3A_219 = arith.select %gt3A_216, %broadcast_in_dim3A_213, %broadcast_in_dim3A_218 : vector<7x7x1xi1>, vector<7x7x1xf32>
    %get3A_220 = arith.constant 5 : index
    %get3A_221 = arith.constant 0 : index
    %get3A_222 = arith.constant 0 : index
    %get3A_223 = arith.constant 0 : index
    %get3A_224 = vector.load %arg3[%get3A_220, %get3A_221, %get3A_222, %get3A_223] : memref<8x7x7x512xf32, #tpu.memory_space<vmem>>, vector<1x7x7x512xf32>
    %get3A_225 = vector.shape_cast %get3A_224 : vector<1x7x7x512xf32> to vector<7x7x512xf32>
    %sub3A_226 = vector.broadcast %select_n3A_219 : vector<7x7x1xf32> to vector<7x7x512xf32>
    %sub3A_227 = arith.subf %get3A_225, %sub3A_226 : vector<7x7x512xf32>
    %swap3A_228 = arith.constant 5 : index
    %swap3A_229 = arith.constant 0 : index
    %swap3A_230 = arith.constant 0 : index
    %swap3A_231 = arith.constant 0 : index
    %swap3A_232 = vector.load %arg4[%swap3A_228, %swap3A_229, %swap3A_230, %swap3A_231] : memref<8x7x7x512xf32, #tpu.memory_space<vmem>>, vector<1x7x7x512xf32>
    %swap3A_233 = vector.shape_cast %swap3A_232 : vector<1x7x7x512xf32> to vector<7x7x512xf32>
    %swap3A_234 = vector.shape_cast %sub3A_227 : vector<7x7x512xf32> to vector<1x7x7x512xf32>
    tpu.vector_store %arg4[%swap3A_228, %swap3A_229, %swap3A_230, %swap3A_231], %swap3A_234 {strides = array<i32>} : memref<8x7x7x512xf32, #tpu.memory_space<vmem>>, vector<1x7x7x512xf32>,
    %mul3A_235 = arith.constant 8 : i32
    %mul3A_236 = arith.muli %arg0, %mul3A_235 : i32
    %add3A_237 = arith.constant 6 : i32
    %add3A_238 = arith.addi %mul3A_236, %add3A_237 : i32
    %get3A_239 = arith.index_cast %add3A_238 : i32 to index
    %get3A_240 = memref.load %arg1[%get3A_239] : memref<128xi32, #tpu.memory_space<smem>>
    %eq3A_241 = vector.broadcast %get3A_240 : i32 to vector<7x7x512xi32>
    %eq3A_242 = arith.cmpi eq, %iota3A, %eq3A_241 : vector<7x7x512xi32>
    %get3A_243 = arith.constant 6 : index
    %get3A_244 = arith.constant 0 : index
    %get3A_245 = arith.constant 0 : index
    %get3A_246 = arith.constant 0 : index
    %get3A_247 = vector.load %arg2[%get3A_243, %get3A_244, %get3A_245, %get3A_246] : memref<8x7x7x512xf32, #tpu.memory_space<vmem>>, vector<1x7x7x512xf32>
    %get3A_248 = vector.shape_cast %get3A_247 : vector<1x7x7x512xf32> to vector<7x7x512xf32>
    %jit3A_249 = arith.constant 0.000000e+00 : f32
    %broadcast_in_dim3A_250 = vector.broadcast %jit3A_249 : f32 to vector<7x7x512xf32>
    %select_n3A_251 = arith.select %eq3A_242, %get3A_248, %broadcast_in_dim3A_250 : vector<7x7x512xi1>, vector<7x7x512xf32>
    %reduce_sum3A_252 = arith.constant dense<0.000000e+00> : vector<7x7xf32>
    %reduce_sum3A_253 = vector.multi_reduction <add>, %select_n3A_251, %reduce_sum3A_252 [2] : vector<7x7x512xf32> to vector<7x7xf32>
    %broadcast_in_dim3A_254 = vector.shape_cast %reduce_sum3A_253 : vector<7x7xf32> to vector<7x7x1xf32>
    %gt3A_255 = arith.constant 5.000000e-01 : f32
    %gt3A_256 = vector.broadcast %gt3A_255 : f32 to vector<7x7x1xf32>
    %gt3A_257 = arith.cmpf ogt, %broadcast_in_dim3A_254, %gt3A_256 : vector<7x7x1xf32>
    %jit3A_258 = arith.constant 0.000000e+00 : f32
    %broadcast_in_dim3A_259 = vector.broadcast %jit3A_258 : f32 to vector<7x7x1xf32>
    %select_n3A_260 = arith.select %gt3A_257, %broadcast_in_dim3A_254, %broadcast_in_dim3A_259 : vector<7x7x1xi1>, vector<7x7x1xf32>
    %get3A_261 = arith.constant 6 : index
    %get3A_262 = arith.constant 0 : index
    %get3A_263 = arith.constant 0 : index
    %get3A_264 = arith.constant 0 : index
    %get3A_265 = vector.load %arg3[%get3A_261, %get3A_262, %get3A_263, %get3A_264] : memref<8x7x7x512xf32, #tpu.memory_space<vmem>>, vector<1x7x7x512xf32>
    %get3A_266 = vector.shape_cast %get3A_265 : vector<1x7x7x512xf32> to vector<7x7x512xf32>
    %sub3A_267 = vector.broadcast %select_n3A_260 : vector<7x7x1xf32> to vector<7x7x512xf32>
    %sub3A_268 = arith.subf %get3A_266, %sub3A_267 : vector<7x7x512xf32>
    %swap3A_269 = arith.constant 6 : index
    %swap3A_270 = arith.constant 0 : index
    %swap3A_271 = arith.constant 0 : index
    %swap3A_272 = arith.constant 0 : index
    %swap3A_273 = vector.load %arg4[%swap3A_269, %swap3A_270, %swap3A_271, %swap3A_272] : memref<8x7x7x512xf32, #tpu.memory_space<vmem>>, vector<1x7x7x512xf32>
    %swap3A_274 = vector.shape_cast %swap3A_273 : vector<1x7x7x512xf32> to vector<7x7x512xf32>
    %swap3A_275 = vector.shape_cast %sub3A_268 : vector<7x7x512xf32> to vector<1x7x7x512xf32>
    tpu.vector_store %arg4[%swap3A_269, %swap3A_270, %swap3A_271, %swap3A_272], %swap3A_275 {strides = array<i32>} : memref<8x7x7x512xf32, #tpu.memory_space<vmem>>, vector<1x7x7x512xf32>,
    %mul3A_276 = arith.constant 8 : i32
    %mul3A_277 = arith.muli %arg0, %mul3A_276 : i32
    %add3A_278 = arith.constant 7 : i32
    %add3A_279 = arith.addi %mul3A_277, %add3A_278 : i32
    %get3A_280 = arith.index_cast %add3A_279 : i32 to index
    %get3A_281 = memref.load %arg1[%get3A_280] : memref<128xi32, #tpu.memory_space<smem>>
    %eq3A_282 = vector.broadcast %get3A_281 : i32 to vector<7x7x512xi32>
    %eq3A_283 = arith.cmpi eq, %iota3A, %eq3A_282 : vector<7x7x512xi32>
    %get3A_284 = arith.constant 7 : index
    %get3A_285 = arith.constant 0 : index
    %get3A_286 = arith.constant 0 : index
    %get3A_287 = arith.constant 0 : index
    %get3A_288 = vector.load %arg2[%get3A_284, %get3A_285, %get3A_286, %get3A_287] : memref<8x7x7x512xf32, #tpu.memory_space<vmem>>, vector<1x7x7x512xf32>
    %get3A_289 = vector.shape_cast %get3A_288 : vector<1x7x7x512xf32> to vector<7x7x512xf32>
    %jit3A_290 = arith.constant 0.000000e+00 : f32
    %broadcast_in_dim3A_291 = vector.broadcast %jit3A_290 : f32 to vector<7x7x512xf32>
    %select_n3A_292 = arith.select %eq3A_283, %get3A_289, %broadcast_in_dim3A_291 : vector<7x7x512xi1>, vector<7x7x512xf32>
    %reduce_sum3A_293 = arith.constant dense<0.000000e+00> : vector<7x7xf32>
    %reduce_sum3A_294 = vector.multi_reduction <add>, %select_n3A_292, %reduce_sum3A_293 [2] : vector<7x7x512xf32> to vector<7x7xf32>
    %broadcast_in_dim3A_295 = vector.shape_cast %reduce_sum3A_294 : vector<7x7xf32> to vector<7x7x1xf32>
    %gt3A_296 = arith.constant 5.000000e-01 : f32
    %gt3A_297 = vector.broadcast %gt3A_296 : f32 to vector<7x7x1xf32>
    %gt3A_298 = arith.cmpf ogt, %broadcast_in_dim3A_295, %gt3A_297 : vector<7x7x1xf32>
    %jit3A_299 = arith.constant 0.000000e+00 : f32
    %broadcast_in_dim3A_300 = vector.broadcast %jit3A_299 : f32 to vector<7x7x1xf32>
    %select_n3A_301 = arith.select %gt3A_298, %broadcast_in_dim3A_295, %broadcast_in_dim3A_300 : vector<7x7x1xi1>, vector<7x7x1xf32>
    %get3A_302 = arith.constant 7 : index
    %get3A_303 = arith.constant 0 : index
    %get3A_304 = arith.constant 0 : index
    %get3A_305 = arith.constant 0 : index
    %get3A_306 = vector.load %arg3[%get3A_302, %get3A_303, %get3A_304, %get3A_305] : memref<8x7x7x512xf32, #tpu.memory_space<vmem>>, vector<1x7x7x512xf32>
    %get3A_307 = vector.shape_cast %get3A_306 : vector<1x7x7x512xf32> to vector<7x7x512xf32>
    %sub3A_308 = vector.broadcast %select_n3A_301 : vector<7x7x1xf32> to vector<7x7x512xf32>
    %sub3A_309 = arith.subf %get3A_307, %sub3A_308 : vector<7x7x512xf32>
    %swap3A_310 = arith.constant 7 : index
    %swap3A_311 = arith.constant 0 : index
    %swap3A_312 = arith.constant 0 : index
    %swap3A_313 = arith.constant 0 : index
    %swap3A_314 = vector.load %arg4[%swap3A_310, %swap3A_311, %swap3A_312, %swap3A_313] : memref<8x7x7x512xf32, #tpu.memory_space<vmem>>, vector<1x7x7x512xf32>
    %swap3A_315 = vector.shape_cast %swap3A_314 : vector<1x7x7x512xf32> to vector<7x7x512xf32>
    %swap3A_316 = vector.shape_cast %sub3A_309 : vector<7x7x512xf32> to vector<1x7x7x512xf32>
    tpu.vector_store %arg4[%swap3A_310, %swap3A_311, %swap3A_312, %swap3A_313], %swap3A_316 {strides = array<i32>} : memref<8x7x7x512xf32, #tpu.memory_space<vmem>>, vector<1x7x7x512xf32>,
    return
  }
  func.func @transform_0(%arg0: i32, %arg1: memref<128xi32, #tpu.memory_space<smem>>) -> (i32, i32, i32, i32) {
    %c0_i32 = arith.constant 0 : i32
    %c0_i32_0 = arith.constant 0 : i32
    %c0_i32_1 = arith.constant 0 : i32
    %c0_i32_2 = arith.constant 0 : i32
    return %arg0, %c0_i32, %c0_i32_0, %c0_i32_1 : i32, i32, i32, i32
  }
  func.func @transform_1(%arg0: i32, %arg1: memref<128xi32, #tpu.memory_space<smem>>) -> (i32, i32, i32, i32) {
    %c0_i32 = arith.constant 0 : i32
    %c0_i32_0 = arith.constant 0 : i32
    %c0_i32_1 = arith.constant 0 : i32
    %c0_i32_2 = arith.constant 0 : i32
    return %arg0, %c0_i32, %c0_i32_0, %c0_i32_1 : i32, i32, i32, i32
  }
  func.func @transform_2(%arg0: i32, %arg1: memref<128xi32, #tpu.memory_space<smem>>) -> (i32, i32, i32, i32) {
    %c0_i32 = arith.constant 0 : i32
    %c0_i32_0 = arith.constant 0 : i32
    %c0_i32_1 = arith.constant 0 : i32
    %c0_i32_2 = arith.constant 0 : i32
    return %arg0, %c0_i32, %c0_i32_0, %c0_i32_1 : i32, i32, i32, i32
  }
}

</mosaic_0001>

<sc_bundles>
// kernel: kernel.4.cloned.1.call-start
scs
__scs_entry_jumppad:
0x0: {  	(pc) =	sbr.rel $0x88, $3  }
0x1: {  	(tag) =	ssettag $0x0;
	lr =	simm.s32 $0x1  }
0x2: {  	[smem:$0x3F9E] =	sst lr;
	_ =	strace $0xD0000000  }
0x3: {  	_ = 	snop  }
0x4: {  	_ = 	snop  }
0x5: {  	_ = 	snop  }
0x6: {  	_ = 	snop  }
0x7: {  	_ = 	snop  }
__scs_overlays_trampoline_lowered:
0x8: {  	[smem:$0x3FAD] =	sst s0  }
0x9: {  	[smem:$0x3FAE] =	sst s1  }
0xa: {  	[smem:$0x3FAF] =	sst s2  }
0xb: {  	[smem:$0x3FB0] =	sst s3  }
0xc: {  	[smem:$0x3FB1] =	sst s4  }
0xd: {  	[smem:$0x3FB2] =	sst s5  }
0xe: {  	[smem:$0x3FB3] =	sst s6  }
0xf: {  	[smem:$0x3FB4] =	sst s7  }
0x10: {  	[smem:$0x3FB5] =	sst s8  }
0x11: {  	[smem:$0x3FB6] =	sst s9;
	s0 =	simm.s32 @!p0 $0x0  }
0x12: {  	s1 =	sld [smem:$0x3F9C];
	s0 =	simm.s32 @p0 $0x1  }
0x13: {  	[smem:$0x3FB7] =	sst s0;
	s0 =	simm.s32 @!p1 $0x0  }
0x14: {  	s2 =	sld [smem:$0x3F9B];
	s0 =	simm.s32 @p1 $0x1  }
0x15: {  	[smem:$0x3FB8] =	sst s0;
	s0 =	simm.s32 @!p2 $0x0  }
0x16: {  	s3 =	sld [smem:$0x3FDB];
	s0 =	simm.s32 @p2 $0x1  }
0x17: {  	s4 =	simm.s32 $0x1BF5;
	[smem:$0x3FBA] =	sst s0  }
0x18: {  	s0 =	sld [smem:$0x3F9D];
	_ =	swait.ge [sflag:s4], $0x0  }
0x19: {  	s7 =	sld [smem:$0x3F9E]  }
0x1a: {  	s8 =	sadd.s32 $0xFFFFE003, lr  }
0x1b: {  	s9 =	sadd.s32 $0xFFFFFEF7, lr;
	s5 =	simm.s32 $0xFFFFFFFF;
	p2 =	slt.u32 s8, $0xFFFFF086  }
0x1c: {  	p1 =	slt.u32 s9, $0xF7A;
	s5 =	simm.s32 @!p2 $0x0  }
0x1d: {  	s5 =	simm.s32 @p1 $0x1;
	p0 =	seq.s32 s7, s2  }
0x1e: {  	s7 =	smul.u32 @!p0 $0xF7A, s2;
	p2 =	seq.s32 @!p0 s5, $0x0  }
0x1f: {  	s9 =	smul.u32 $0xF7A, s1;
	s8 =	simm.s32 @!p0 $0x1BF5;
	p2 =	por !p2, p0  }
0x20: {  	[sflag:s8] =	ssyncset.s32 @!p0 $0xFFFFF086;
	s6 =	sadd.s32 @!p0 s3, s7;
	s7 =	simm.s32 @!p0 $0x108  }
0x21: {  	s3 =	sadd.s32 s3, s9;
	s6 =	sadd.s32 @!p0 $0x88, s6;
	s7 =	simm.s32 @p2 $0x1082  }
0x22: {  	[simem:s7], [sflag:s8] =	dma.local @!p0 [hbm:s6], $0xF7A  }
0x23: {  	s9 =	sor.u32 $0xD0000000, s2;
	s6 =	simm.s32 $0x108;
	_ =	swait.ge @!p0 [sflag:s8], $0x0  }
0x24: {  	s3 =	sadd.s32 $0x88, s3;
	s6 =	simm.s32 @!p1 $0x1082;
	[sflag:s4] =	ssyncset.s32 $0xFFFFF086  }
0x25: {  	[simem:s6], [sflag:s4] =	dma.local [hbm:s3], $0xF7A  }
0x26: {  	[smem:$0x3F9E] =	sst s1;
	(tag) =	ssettag s2;
	_ =	strace s9  }
0x27: {  	s1 =	sld [smem:$0x3FAE]  }
0x28: {  	s2 =	sld [smem:$0x3FAF]  }
0x29: {  	s4 =	sld [smem:$0x3FB1]  }
0x2a: {  	p0 =	seq.s32 s5, $0x0;
	s5 =	sld [smem:$0x3FB2]  }
0x2b: {  	s6 =	sld [smem:$0x3FB3]  }
0x2c: {  	s7 =	sld [smem:$0x3FB4]  }
0x2d: {  	s3 =	simm.s32 $0x108;
	s8 =	sld [smem:$0x3FB5]  }
0x2e: {  	s3 =	simm.s32 @!p0 $0x1082;
	s9 =	sld [smem:$0x3FB6]  }
0x2f: {  	lr =	sadd.s32 s0, s3;
	s0 =	sld [smem:$0x3FAD]  }
0x30: {  	s3 =	sld [smem:$0x3FB0]  }
0x31: {  	[smem:$0x3FB9] =	sst s10  }
0x32: {  	s10 =	sld [smem:$0x3FB7];
	_ =	sdelay $0x3  }
0x33: {  	p0 =	seq.s32 s10, $0x1;
	s10 =	sld [smem:$0x3FB9];
	_ =	sdelay $0x3  }
0x34: {  	[smem:$0x3FB9] =	sst s10  }
0x35: {  	s10 =	sld [smem:$0x3FB8];
	_ =	sdelay $0x3  }
0x36: {  	p1 =	seq.s32 s10, $0x1;
	s10 =	sld [smem:$0x3FB9];
	_ =	sdelay $0x3  }
0x37: {  	[smem:$0x3FB9] =	sst s10  }
0x38: {  	s10 =	sld [smem:$0x3FBA]  }
0x39: {  	_ = 	snop;
	(pc) =	sbr.ind lr, $3  }
0x3a: {  	_ = 	snop  }
0x3b: {  	_ = 	snop  }
0x3c: {  	p2 =	seq.s32 s10, $0x1;
	s10 =	sld [smem:$0x3FB9]  }
0x3d: {  	_ =	shalt  }
0x3e: {  	_ =	shalt  }
0x3f: {  	_ =	shalt  }
0x40: {  	_ =	shalt  }
0x41: {  	_ =	shalt  }
0x42: {  	_ =	shalt  }
0x43: {  	_ =	shalt  }
0x44: {  	_ =	shalt  }
0x45: {  	_ =	shalt  }
0x46: {  	_ =	shalt  }
0x47: {  	_ =	shalt  }
0x48: {  	_ =	shalt  }
0x49: {  	_ =	shalt  }
0x4a: {  	_ =	shalt  }
0x4b: {  	_ =	shalt  }
0x4c: {  	_ =	shalt  }
0x4d: {  	_ =	shalt  }
0x4e: {  	_ =	shalt  }
0x4f: {  	_ =	shalt  }
0x50: {  	_ =	shalt  }
0x51: {  	_ =	shalt  }
0x52: {  	_ =	shalt  }
0x53: {  	_ =	shalt  }
0x54: {  	_ =	shalt  }
0x55: {  	_ =	shalt  }
0x56: {  	_ =	shalt  }
0x57: {  	_ =	shalt  }
0x58: {  	_ =	shalt  }
0x59: {  	_ =	shalt  }
0x5a: {  	_ =	shalt  }
0x5b: {  	_ =	shalt  }
0x5c: {  	_ =	shalt  }
0x5d: {  	_ =	shalt  }
0x5e: {  	_ =	shalt  }
0x5f: {  	_ =	shalt  }
0x60: {  	_ =	shalt  }
0x61: {  	_ =	shalt  }
0x62: {  	_ =	shalt  }
0x63: {  	_ =	shalt  }
0x64: {  	_ =	shalt  }
0x65: {  	_ =	shalt  }
0x66: {  	_ =	shalt  }
0x67: {  	_ =	shalt  }
0x68: {  	_ =	shalt  }
0x69: {  	_ =	shalt  }
0x6a: {  	_ =	shalt  }
0x6b: {  	_ =	shalt  }
0x6c: {  	_ =	shalt  }
0x6d: {  	_ =	shalt  }
0x6e: {  	_ =	shalt  }
0x6f: {  	_ =	shalt  }
0x70: {  	_ =	shalt  }
0x71: {  	_ =	shalt  }
0x72: {  	_ =	shalt  }
0x73: {  	_ =	shalt  }
0x74: {  	_ =	shalt  }
0x75: {  	_ =	shalt  }
0x76: {  	_ =	shalt  }
0x77: {  	_ =	shalt  }
0x78: {  	_ =	shalt  }
0x79: {  	_ =	shalt  }
0x7a: {  	_ =	shalt  }
0x7b: {  	_ =	shalt  }
0x7c: {  	_ =	shalt  }
0x7d: {  	_ =	shalt  }
0x7e: {  	_ =	shalt  }
0x7f: {  	_ =	shalt  }
0x80: {  	_ =	shalt  }
0x81: {  	_ =	shalt  }
0x82: {  	_ =	shalt  }
0x83: {  	_ =	shalt  }
0x84: {  	_ =	shalt  }
0x85: {  	_ =	shalt  }
0x86: {  	_ =	shalt  }
0x87: {  	_ =	shalt  }
.Lfunc_end0:
.L_simem_size_0:
called_computation_lowered:
.L_overlay_start_0:
0x88: {  	s2 =	sld [smem:$0x3FD9]  }
0x89: {  	s3 =	sld [smem:$0x3FFE];
	_ =	sdelay $0x1  }
0x8a: {  	s1 =	srdreg.scid  }
0x8b: {  	s0 =	sand.u32 $0x1, s1  }
0x8c: {  	s18 =	sshll.u32 s0, $0xA;
	s2 =	sadd.s32 s3, s2  }
0x8d: {  	s2 =	sadd.s32 s2, s18  }
0x8e: {  	[smem:$0x3FC5] =	sst s2  }
0x8f: {  	_ = 	snop  }
0x90: {  	s2 =	sld [smem:$0x3FC7]  }
0x91: {  	s19 =	sld [smem:$0x3FD0];
	(tm) =	ssettm $0x1  }
0x92: {  	s4 =	sld [smem:$0x3FFB];
	_ =	sdelay $0x3  }
0x93: {  	_ =	strace s4  }
0x94: {  	s4 =	sld [smem:$0x3FFC];
	_ =	sdelay $0x3  }
0x95: {  	_ =	strace s4  }
0x96: {  	s4 =	sld [smem:$0x3FFD];
	_ =	sdelay $0x3  }
0x97: {  	_ =	strace s4  }
0x98: {  	_ =	strace $0x8FFFFFFF  }
0x99: {  	s20 =	sld [smem:$0x3FDB];
	_ =	sdelay $0x1  }
0x9a: {  	s5 =	simm.s32 $_scs_section_size  }
0x9b: {  	s6 =	simm.s32 $_size__tile_overlayer_lowered;
	s7 =	simm.s32 $_tile_overlayer_lowered  }
0x9c: {  	s23 =	simm.s32 $0x1BFF;
	s22 =	sshll.u32 s7, $0x1;
	s4 =	sadd.s32 s5, s20  }
0x9d: {  	s8 =	simm.s32 $0x0;
	s21 =	sshll.u32 s6, $0x1;
	s6 =	sadd.s32 s22, s4  }
0x9e: {  	[timem:s8], [sflag:s23] =	dma.local [hbm:s6], s21  }
0x9f: {  	_ =	swait.ge [sflag:s23], s21  }
0xa0: {  	s5 =	ssub.s32 $0x0, s21;
	[sflag:s23] =	ssyncset.done $0x0  }
0xa1: {  	[sflag:s23] =	ssyncadd.s32 s5;
	_ =	sdelay $0x1  }
0xa2: {  	s24 =	simm.s32 $0x1B8B  }
0xa3: {  	_ =	swait.ge [sflag:s24], $0x1  }
0xa4: {  	[sflag:s24] =	ssyncset.done $0x0  }
0xa5: {  	s25 =	simm.s32 $0x1B8E;
	[sflag:s24] =	ssyncadd.s32 $0xFFFFFFFF  }
0xa6: {  	s26 =	simm.s32 $execute0_lowered;
	[smem:$0x3FD2] =	sst s25  }
0xa7: {  	s5 =	sshll.u32 s26, $0x1;
	_ =	strace $0x80000046;
	[dreg:$0x1] =	wrdreg $0xFFFFFFFF  }
0xa8: {  	s28 =	simm.s32 $_size_execute0_lowered;
	s4 =	sadd.s32 s4, s5;
	[dreg:$0x0] =	wrdreg $0x0  }
0xa9: {  	s5 =	sshll.u32 s28, $0x1;
	[dreg:$0x2] =	wrdreg s4  }
0xaa: {  	[dreg:$0x3] =	wrdreg s5  }
0xab: {  	[dreg:$0x4] =	wrdreg $0xC0  }
0xac: {  	_ =	task [dreg:s8], $0x5FFFF  }
0xad: {  	[dreg:$0x1] =	wrdreg $0xFFFFFFFF  }
0xae: {  	[dreg:$0x0] =	wrdreg $0x60  }
0xaf: {  	[dreg:$0x2] =	wrdreg s2  }
0xb0: {  	[dreg:$0x3] =	wrdreg s19  }
0xb1: {  	[dreg:$0x4] =	wrdreg $0x9  }
0xb2: {  	_ =	task.clear_ibuf [dreg:s8], $0x5FFFF;
	_ =	strace $0x90000046  }
0xb3: {  	s29 =	simm.s32 $0x9;
	_ =	strace $0x80000048  }
0xb4: {  	_ =	swait.ge [sflag:s29], $0x1  }
0xb5: {  	[sflag:s29] =	ssyncadd.s32 $0xFFFFFFFF  }
0xb6: {  	_ =	strace $0x90000048  }
0xb7: {  	_ =	sfence  }
0xb8: {  	s30 =	sld [smem:$0x0];
	_ =	sdelay $0x2  }
0xb9: {  	s31 =	sshll.u32 s1, $0xD;
	s1 =	sshrl.u32 s1, $0x2  }
0xba: {  	s3 =	sand.u32 $0x4000, s31;
	s1 =	sadd.s32 s1, s30  }
0xbb: {  	s0 =	sor.u32 s3, s0;
	s1 =	sshll.u32 s1, $0x11  }
0xbc: {  	s0 =	sor.u32 s1, s0  }
0xbd: {  	s0 =	sadd.s32 $0x8F2B, s0  }
0xbe: {  	[sflag:s0] =	ssyncadd.remote.s32 $0x1  }
0xbf: {  	_ =	sfence.sel $0xFFFF  }
0xc0: {  	[dreg:$0x0] =	wrdreg $0xFFFFFFFF;
	(pc) =	sbr.abs _section_cstart, $3  }
0xc1: {  	[dreg:$0x1] =	wrdreg $0xFFFFFFFF  }
0xc2: {  	_ =	task.clear_ibuf [dreg:s8], $0x2FFFF;
	_ =	strace $0x9FFFFFFF  }
0xc3: {  	(tm) =	ssettm $0x7FFFFFFF  }
tec
execute0_lowered:
.L_overlay_start_1:
0x0: {  	(tag) =	ssettag $0x1  }
0x1: {  	s1 =	stileid.u32  }
0x2: {  	p0 =	sgt.u32 s1, $0x7  }
.Ltmp0:
0x3: {  	_ = 	snop;
	(pc) =	sbr.rel @p0 .LBB2_19-.Ltmp0, $4  }
0x4: {  	s4 =	rddreg [dreg:$0x0]  }
0x5: {  	s3 =	rddreg [dreg:$0x1];
	s2 =	simm.s32 $0x0  }
0x6: {  	[smem:$0x7FF] =	sst s2  }
0x7: {  	s0 =	rddreg [dreg:$0x2];
	_ =	strace $0x80000047  }
0x8: {  	v0 =	vimm.s32 $0xFEDCBA98  }
0x9: {  	v1 =	vimm.s32 $0x76543210;
	v2 =	vimm.s32 $0xBA98FEDC;
	v3 =	vimm.s32 $0x32107654  }
0xa: {  	v4 =	vimm.s32 $0xDCFE98BA;
	v5 =	vimm.s32 $0x54761032;
	v6 =	vimm.s32 $0xEFCDAB89  }
0xb: {  	v7 =	vimm.s32 $0x67452301;
	vm0 =	vcmask $0x320;
	vm1 =	vcmask $0x720  }
0xc: {  	vm2 =	vcmask $0xB20;
	vm3 =	vcmask $0xF20;
	vm4 =	vcmask $0x1320  }
0xd: {  	v0 =	vunpack.c.l.s4.s8 v0;
	v1 =	vunpack.c.l.s4.s8 v1;
	v2 =	vunpack.c.l.s4.s8 v2  }
0xe: {  	v3 =	vunpack.c.l.s4.s8 v3;
	v4 =	vunpack.c.l.s4.s8 v4;
	v5 =	vunpack.c.l.s4.s8 v5  }
0xf: {  	v6 =	vunpack.c.l.s4.s8 v6;
	v7 =	vunpack.c.l.s4.s8 v7;
	v0 =	vunpack.c.0.s8.s32 v0  }
0x10: {  	s5 =	srdreg.scid;
	v2 =	vunpack.c.0.s8.s32 v2;
	v3 =	vunpack.c.0.s8.s32 v3;
	v4 =	vunpack.c.0.s8.s32 v4  }
0x11: {  	s6 =	sshll.u32 s1, $0x1;
	s5 =	sand.u32 $0x1, s5;
	v5 =	vunpack.c.0.s8.s32 v5;
	v6 =	vunpack.c.0.s8.s32 v6;
	v7 =	vunpack.c.0.s8.s32 v7  }
0x12: {  	vm5 =	vcmask $0x1720;
	s7 =	ssub.s32 $0x2, s5;
	s5 =	sor.u32 s5, s6;
	v1 =	vunpack.c.0.s8.s32 v1;
	v2 =	vcombine.low v3, v2  }
0x13: {  	s8 =	simm.s32 $0x0;
	s30 =	sshrl.u32 s7, $0x1;
	s31 =	sshll.u32 s5, $0x9;
	v3 =	vcombine.low v5, v4;
	v4 =	vand.u32 $0xF, v0;
	v5 =	vcombine.low v7, v6  }
0x14: {  	vm6 =	vcmask $0x1B20;
	s3 =	sadd.s32 s3, s5;
	s6 =	ssub.s32 s7, s30;
	s4 =	sadd.s32 s4, s31;
	v0 =	vlaneseq.u32;
	v1 =	vcombine.low v4, v1  }
0x15: {  	s7 =	simm.s32 $0x1000;
	s5 =	smax.u32 s6, $0x1;
	s6 =	simm.s32 $0x1;
	v2 =	vand.u32 $0xF, v2;
	v3 =	vand.u32 $0xF, v3;
	v4 =	vand.u32 $0xF, v5  }
.LBB2_2:
0x16: {  	[tilespmem:s2], [sflag:$0x1] =	stream.linear.gather [hbm4b:s4+s2], $0x1000, $0x38;
	[tilespmem:$0x1080] =	vst v63  }
0x17: {  	_ =	swait.ge [sflag:s6], $0x1000  }
0x18: {  	s9 =	simm.s32 $0x10;
	s10 =	simm.s32 $0x80;
	[sflag:s6] =	ssyncset.done $0x0  }
0x19: {  	s11 =	sand.u32 $0x70, s9;
	s12 =	sand.u32 $0xC00, s10;
	[sflag:s6] =	ssyncadd.s32 $0xFFFFF000  }
0x1a: {  	s12 =	sor.u32 s11, s12;
	v5 =	vld [tilespmem:$0x0]  }
0x1b: {  	v6 =	vlaneseq.u32;
	s11 =	simm.s32 $0x20;
	v7 =	vld [tilespmem:s12+$0x0]  }
.LBB2_3:
0x1c: {  	p0 =	sne.s32 s11, $0x1F0  }
.Ltmp1:
0x1d: {  	_ = 	snop;
	(pc) =	sbr.rel @p0 .LBB2_3-.Ltmp1, $4  }
0x1e: {  	s10 =	sadd.s32 $0x80, s10  }
0x1f: {  	s12 =	sand.u32 $0x70, s11;
	s14 =	sand.u32 $0xC00, s10  }
0x20: {  	s13 =	smov.u32 s11;
	v8 =	vor.u32 s9, v0;
	s12 =	sor.u32 s12, s14;
	vm7 =	vgt.f32 v7, v5  }
0x21: {  	s11 =	sadd.s32 $0x10, s11;
	s9 =	smov.u32 s13;
	v5 =	vsel vm7, v7, v5;
	v7 =	vld [tilespmem:s12+$0x0];
	v6 =	vsel vm7, v8, v6  }
0x22: {  	_ =	sdelay $0x3  }
0x23: {  	v8 =	vor.u32 s9, v0;
	vm7 =	vgt.f32 v7, v5  }
0x24: {  	v5 =	vsel vm7, v7, v5;
	v6 =	vsel vm7, v8, v6  }
0x25: {  	v7 =	vperm.xlane v5, v1;
	v8 =	vperm.xlane v6, v1;
	_ =	sdelay $0x1  }
0x26: {  	vm7 =	veq.f32 v7, v5;
	vm8 =	vlt.s32 v8, v6  }
0x27: {  	vm9 =	vgt.f32 v7, v5;
	vm7 =	vmand vm7, vm8  }
0x28: {  	vm7 =	vmor vm9, vm7  }
0x29: {  	v5 =	vsel vm7, v7, v5;
	v6 =	vsel vm7, v8, v6  }
0x2a: {  	v7 =	vperm.xlane v5, v2;
	v8 =	vperm.xlane v6, v2;
	_ =	sdelay $0x1  }
0x2b: {  	vm7 =	veq.f32 v7, v5;
	vm8 =	vlt.s32 v8, v6  }
0x2c: {  	vm14 =	vgt.f32 v7, v5;
	vm7 =	vmand vm7, vm8  }
0x2d: {  	vm7 =	vmor vm14, vm7  }
0x2e: {  	v5 =	vsel vm7, v7, v5;
	v6 =	vsel vm7, v8, v6  }
0x2f: {  	v7 =	vperm.xlane v5, v3;
	v8 =	vperm.xlane v6, v3;
	_ =	sdelay $0x1  }
0x30: {  	vm7 =	veq.f32 v7, v5;
	vm8 =	vlt.s32 v8, v6  }
0x31: {  	s9 =	simm.s32 $0x10;
	s10 =	simm.s32 $0x80;
	vm15 =	vgt.f32 v7, v5;
	vm7 =	vmand vm7, vm8  }
0x32: {  	s11 =	sand.u32 $0x70, s9;
	s12 =	sand.u32 $0xC00, s10;
	vm7 =	vmor vm15, vm7  }
0x33: {  	v9 =	vld [tilespmem:$0x80];
	s12 =	sor.u32 s11, s12;
	v7 =	vsel vm7, v7, v5;
	v5 =	vsel vm7, v8, v6  }
0x34: {  	v10 =	vlaneseq.u32;
	s11 =	simm.s32 $0x20;
	v11 =	vld [tilespmem:s12+$0x80];
	v8 =	vperm.xlane v7, v4;
	v6 =	vperm.xlane v5, v4  }
.LBB2_5:
0x35: {  	p0 =	sne.s32 s11, $0x1F0  }
.Ltmp2:
0x36: {  	_ = 	snop;
	(pc) =	sbr.rel @p0 .LBB2_5-.Ltmp2, $4  }
0x37: {  	s10 =	sadd.s32 $0x80, s10  }
0x38: {  	s12 =	sand.u32 $0x70, s11;
	s14 =	sand.u32 $0xC00, s10  }
0x39: {  	s13 =	smov.u32 s11;
	v12 =	vor.u32 s9, v0;
	s12 =	sor.u32 s12, s14;
	vm7 =	vgt.f32 v11, v9  }
0x3a: {  	s11 =	sadd.s32 $0x10, s11;
	s9 =	smov.u32 s13;
	v9 =	vsel vm7, v11, v9;
	v11 =	vld [tilespmem:s12+$0x80];
	v10 =	vsel vm7, v12, v10  }
0x3b: {  	_ =	sdelay $0x3  }
0x3c: {  	v12 =	vor.u32 s9, v0;
	vm7 =	vgt.f32 v11, v9  }
0x3d: {  	v9 =	vsel vm7, v11, v9;
	v10 =	vsel vm7, v12, v10  }
0x3e: {  	v11 =	vperm.xlane v9, v1;
	v12 =	vperm.xlane v10, v1;
	_ =	sdelay $0x1  }
0x3f: {  	vm7 =	veq.f32 v11, v9;
	vm8 =	vlt.s32 v12, v10  }
0x40: {  	vm9 =	vgt.f32 v11, v9;
	vm7 =	vmand vm7, vm8  }
0x41: {  	vm7 =	vmor vm9, vm7  }
0x42: {  	v9 =	vsel vm7, v11, v9;
	v10 =	vsel vm7, v12, v10  }
0x43: {  	v11 =	vperm.xlane v9, v2;
	v12 =	vperm.xlane v10, v2;
	_ =	sdelay $0x1  }
0x44: {  	vm7 =	veq.f32 v11, v9;
	vm8 =	vlt.s32 v12, v10  }
0x45: {  	vm14 =	vgt.f32 v11, v9;
	vm7 =	vmand vm7, vm8  }
0x46: {  	vm7 =	vmor vm14, vm7  }
0x47: {  	v9 =	vsel vm7, v11, v9;
	v10 =	vsel vm7, v12, v10  }
0x48: {  	v11 =	vperm.xlane v9, v3;
	v12 =	vperm.xlane v10, v3;
	_ =	sdelay $0x1  }
0x49: {  	vm7 =	veq.f32 v11, v9;
	vm8 =	vlt.s32 v12, v10  }
0x4a: {  	s9 =	simm.s32 $0x10;
	s10 =	simm.s32 $0x80;
	vm15 =	vgt.f32 v11, v9;
	vm7 =	vmand vm7, vm8  }
0x4b: {  	s11 =	sand.u32 $0x70, s9;
	s12 =	sand.u32 $0xC00, s10;
	vm7 =	vmor vm15, vm7  }
0x4c: {  	v13 =	vld [tilespmem:$0x100];
	s12 =	sor.u32 s11, s12;
	v11 =	vsel vm7, v11, v9;
	v9 =	vsel vm7, v12, v10  }
0x4d: {  	v14 =	vlaneseq.u32;
	s11 =	simm.s32 $0x20;
	v15 =	vld [tilespmem:s12+$0x100];
	v12 =	vperm.xlane v11, v4;
	v10 =	vperm.xlane v9, v4  }
.LBB2_7:
0x4e: {  	p0 =	sne.s32 s11, $0x1F0  }
.Ltmp3:
0x4f: {  	_ = 	snop;
	(pc) =	sbr.rel @p0 .LBB2_7-.Ltmp3, $4  }
0x50: {  	s10 =	sadd.s32 $0x80, s10  }
0x51: {  	s12 =	sand.u32 $0x70, s11;
	s14 =	sand.u32 $0xC00, s10  }
0x52: {  	s13 =	smov.u32 s11;
	v16 =	vor.u32 s9, v0;
	s12 =	sor.u32 s12, s14;
	vm7 =	vgt.f32 v15, v13  }
0x53: {  	s11 =	sadd.s32 $0x10, s11;
	s9 =	smov.u32 s13;
	v13 =	vsel vm7, v15, v13;
	v15 =	vld [tilespmem:s12+$0x100];
	v14 =	vsel vm7, v16, v14  }
0x54: {  	_ =	sdelay $0x3  }
0x55: {  	v16 =	vor.u32 s9, v0;
	vm7 =	vgt.f32 v15, v13  }
0x56: {  	v13 =	vsel vm7, v15, v13;
	v14 =	vsel vm7, v16, v14  }
0x57: {  	v15 =	vperm.xlane v13, v1;
	v16 =	vperm.xlane v14, v1;
	_ =	sdelay $0x1  }
0x58: {  	vm7 =	veq.f32 v15, v13;
	vm8 =	vlt.s32 v16, v14  }
0x59: {  	vm9 =	vgt.f32 v15, v13;
	vm7 =	vmand vm7, vm8  }
0x5a: {  	vm7 =	vmor vm9, vm7  }
0x5b: {  	v13 =	vsel vm7, v15, v13;
	v14 =	vsel vm7, v16, v14  }
0x5c: {  	v15 =	vperm.xlane v13, v2;
	v16 =	vperm.xlane v14, v2;
	_ =	sdelay $0x1  }
0x5d: {  	vm7 =	veq.f32 v15, v13;
	vm8 =	vlt.s32 v16, v14  }
0x5e: {  	vm14 =	vgt.f32 v15, v13;
	vm7 =	vmand vm7, vm8  }
0x5f: {  	vm7 =	vmor vm14, vm7  }
0x60: {  	v13 =	vsel vm7, v15, v13;
	v15 =	vsel vm7, v16, v14  }
0x61: {  	v14 =	vperm.xlane v13, v3;
	v16 =	vperm.xlane v15, v3;
	_ =	sdelay $0x1  }
0x62: {  	vm7 =	veq.f32 v14, v13;
	vm8 =	vlt.s32 v16, v15  }
0x63: {  	s9 =	simm.s32 $0x10;
	s10 =	simm.s32 $0x80;
	vm15 =	vgt.f32 v14, v13;
	vm7 =	vmand vm7, vm8  }
0x64: {  	s11 =	sand.u32 $0x70, s9;
	s12 =	sand.u32 $0xC00, s10;
	vm7 =	vmor vm15, vm7  }
0x65: {  	v17 =	vld [tilespmem:$0x180];
	s12 =	sor.u32 s11, s12;
	v14 =	vsel vm7, v14, v13;
	v13 =	vsel vm7, v16, v15  }
0x66: {  	v18 =	vlaneseq.u32;
	s11 =	simm.s32 $0x20;
	v19 =	vld [tilespmem:s12+$0x180];
	v16 =	vperm.xlane v14, v4;
	v15 =	vperm.xlane v13, v4  }
.LBB2_9:
0x67: {  	p0 =	sne.s32 s11, $0x1F0  }
.Ltmp4:
0x68: {  	_ = 	snop;
	(pc) =	sbr.rel @p0 .LBB2_9-.Ltmp4, $4  }
0x69: {  	s10 =	sadd.s32 $0x80, s10  }
0x6a: {  	s12 =	sand.u32 $0x70, s11;
	s14 =	sand.u32 $0xC00, s10  }
0x6b: {  	s13 =	smov.u32 s11;
	v20 =	vor.u32 s9, v0;
	s12 =	sor.u32 s12, s14;
	vm7 =	vgt.f32 v19, v17  }
0x6c: {  	s11 =	sadd.s32 $0x10, s11;
	s9 =	smov.u32 s13;
	v17 =	vsel vm7, v19, v17;
	v19 =	vld [tilespmem:s12+$0x180];
	v18 =	vsel vm7, v20, v18  }
0x6d: {  	_ =	sdelay $0x3  }
0x6e: {  	v20 =	vor.u32 s9, v0;
	vm7 =	vgt.f32 v19, v17  }
0x6f: {  	v17 =	vsel vm7, v19, v17;
	v18 =	vsel vm7, v20, v18  }
0x70: {  	v19 =	vperm.xlane v17, v1;
	v20 =	vperm.xlane v18, v1;
	_ =	sdelay $0x1  }
0x71: {  	vm7 =	veq.f32 v19, v17;
	vm8 =	vlt.s32 v20, v18  }
0x72: {  	vm9 =	vgt.f32 v19, v17;
	vm7 =	vmand vm7, vm8  }
0x73: {  	vm7 =	vmor vm9, vm7  }
0x74: {  	v17 =	vsel vm7, v19, v17;
	v18 =	vsel vm7, v20, v18  }
0x75: {  	v19 =	vperm.xlane v17, v2;
	v20 =	vperm.xlane v18, v2;
	_ =	sdelay $0x1  }
0x76: {  	vm7 =	veq.f32 v19, v17;
	vm8 =	vlt.s32 v20, v18  }
0x77: {  	vm14 =	vgt.f32 v19, v17;
	vm7 =	vmand vm7, vm8  }
0x78: {  	vm7 =	vmor vm14, vm7  }
0x79: {  	v17 =	vsel vm7, v19, v17;
	v18 =	vsel vm7, v20, v18  }
0x7a: {  	v19 =	vperm.xlane v17, v3;
	v20 =	vperm.xlane v18, v3;
	_ =	sdelay $0x1  }
0x7b: {  	vm7 =	veq.f32 v19, v17;
	vm8 =	vlt.s32 v20, v18  }
0x7c: {  	s9 =	simm.s32 $0x10;
	s10 =	simm.s32 $0x80;
	vm15 =	vgt.f32 v19, v17;
	vm7 =	vmand vm7, vm8  }
0x7d: {  	s11 =	sand.u32 $0x70, s9;
	s12 =	sand.u32 $0xC00, s10;
	vm7 =	vmor vm15, vm7  }
0x7e: {  	v21 =	vld [tilespmem:$0x200];
	s12 =	sor.u32 s11, s12;
	v19 =	vsel vm7, v19, v17;
	v17 =	vsel vm7, v20, v18  }
0x7f: {  	v22 =	vlaneseq.u32;
	s11 =	simm.s32 $0x20;
	v23 =	vld [tilespmem:s12+$0x200];
	v20 =	vperm.xlane v19, v4;
	v18 =	vperm.xlane v17, v4  }
.LBB2_11:
0x80: {  	p0 =	sne.s32 s11, $0x1F0  }
.Ltmp5:
0x81: {  	_ = 	snop;
	(pc) =	sbr.rel @p0 .LBB2_11-.Ltmp5, $4  }
0x82: {  	s10 =	sadd.s32 $0x80, s10  }
0x83: {  	s12 =	sand.u32 $0x70, s11;
	s14 =	sand.u32 $0xC00, s10  }
0x84: {  	s13 =	smov.u32 s11;
	v24 =	vor.u32 s9, v0;
	s12 =	sor.u32 s12, s14;
	vm7 =	vgt.f32 v23, v21  }
0x85: {  	s11 =	sadd.s32 $0x10, s11;
	s9 =	smov.u32 s13;
	v21 =	vsel vm7, v23, v21;
	v23 =	vld [tilespmem:s12+$0x200];
	v22 =	vsel vm7, v24, v22  }
0x86: {  	_ =	sdelay $0x3  }
0x87: {  	v24 =	vor.u32 s9, v0;
	vm7 =	vgt.f32 v23, v21  }
0x88: {  	v21 =	vsel vm7, v23, v21;
	v22 =	vsel vm7, v24, v22  }
0x89: {  	v23 =	vperm.xlane v21, v1;
	v24 =	vperm.xlane v22, v1;
	_ =	sdelay $0x1  }
0x8a: {  	vm7 =	veq.f32 v23, v21;
	vm8 =	vlt.s32 v24, v22  }
0x8b: {  	vm9 =	vgt.f32 v23, v21;
	vm7 =	vmand vm7, vm8  }
0x8c: {  	vm7 =	vmor vm9, vm7  }
0x8d: {  	v21 =	vsel vm7, v23, v21;
	v22 =	vsel vm7, v24, v22  }
0x8e: {  	v23 =	vperm.xlane v21, v2;
	v24 =	vperm.xlane v22, v2;
	_ =	sdelay $0x1  }
0x8f: {  	vm7 =	veq.f32 v23, v21;
	vm8 =	vlt.s32 v24, v22  }
0x90: {  	vm14 =	vgt.f32 v23, v21;
	vm7 =	vmand vm7, vm8  }
0x91: {  	vm7 =	vmor vm14, vm7  }
0x92: {  	v21 =	vsel vm7, v23, v21;
	v22 =	vsel vm7, v24, v22  }
0x93: {  	v23 =	vperm.xlane v21, v3;
	v24 =	vperm.xlane v22, v3;
	_ =	sdelay $0x1  }
0x94: {  	vm7 =	veq.f32 v23, v21;
	vm8 =	vlt.s32 v24, v22  }
0x95: {  	s9 =	simm.s32 $0x10;
	s10 =	simm.s32 $0x80;
	vm15 =	vgt.f32 v23, v21;
	vm7 =	vmand vm7, vm8  }
0x96: {  	s11 =	sand.u32 $0x70, s9;
	s12 =	sand.u32 $0xC00, s10;
	vm7 =	vmor vm15, vm7  }
0x97: {  	v25 =	vld [tilespmem:$0x280];
	s12 =	sor.u32 s11, s12;
	v23 =	vsel vm7, v23, v21;
	v21 =	vsel vm7, v24, v22  }
0x98: {  	v26 =	vlaneseq.u32;
	s11 =	simm.s32 $0x20;
	v27 =	vld [tilespmem:s12+$0x280];
	v24 =	vperm.xlane v23, v4;
	v22 =	vperm.xlane v21, v4  }
.LBB2_13:
0x99: {  	p0 =	sne.s32 s11, $0x1F0  }
.Ltmp6:
0x9a: {  	_ = 	snop;
	(pc) =	sbr.rel @p0 .LBB2_13-.Ltmp6, $4  }
0x9b: {  	s10 =	sadd.s32 $0x80, s10  }
0x9c: {  	s12 =	sand.u32 $0x70, s11;
	s14 =	sand.u32 $0xC00, s10  }
0x9d: {  	s13 =	smov.u32 s11;
	v28 =	vor.u32 s9, v0;
	s12 =	sor.u32 s12, s14;
	vm7 =	vgt.f32 v27, v25  }
0x9e: {  	s11 =	sadd.s32 $0x10, s11;
	s9 =	smov.u32 s13;
	v25 =	vsel vm7, v27, v25;
	v27 =	vld [tilespmem:s12+$0x280];
	v26 =	vsel vm7, v28, v26  }
0x9f: {  	_ =	sdelay $0x3  }
0xa0: {  	v28 =	vor.u32 s9, v0;
	vm7 =	vgt.f32 v27, v25  }
0xa1: {  	v25 =	vsel vm7, v27, v25;
	v26 =	vsel vm7, v28, v26  }
0xa2: {  	v27 =	vperm.xlane v25, v1;
	v28 =	vperm.xlane v26, v1;
	_ =	sdelay $0x1  }
0xa3: {  	vm7 =	veq.f32 v27, v25;
	vm8 =	vlt.s32 v28, v26  }
0xa4: {  	vm9 =	vgt.f32 v27, v25;
	vm7 =	vmand vm7, vm8  }
0xa5: {  	vm7 =	vmor vm9, vm7  }
0xa6: {  	v25 =	vsel vm7, v27, v25;
	v26 =	vsel vm7, v28, v26  }
0xa7: {  	v27 =	vperm.xlane v25, v2;
	v28 =	vperm.xlane v26, v2;
	_ =	sdelay $0x1  }
0xa8: {  	vm7 =	veq.f32 v27, v25;
	vm8 =	vlt.s32 v28, v26  }
0xa9: {  	vm14 =	vgt.f32 v27, v25;
	vm7 =	vmand vm7, vm8  }
0xaa: {  	vm7 =	vmor vm14, vm7  }
0xab: {  	v25 =	vsel vm7, v27, v25;
	v26 =	vsel vm7, v28, v26  }
0xac: {  	v27 =	vperm.xlane v25, v3;
	v28 =	vperm.xlane v26, v3;
	_ =	sdelay $0x1  }
0xad: {  	vm7 =	veq.f32 v27, v25;
	vm8 =	vlt.s32 v28, v26  }
0xae: {  	s9 =	simm.s32 $0x10;
	s10 =	simm.s32 $0x80;
	vm15 =	vgt.f32 v27, v25;
	vm7 =	vmand vm7, vm8  }
0xaf: {  	s11 =	sand.u32 $0x70, s9;
	s12 =	sand.u32 $0xC00, s10;
	vm7 =	vmor vm15, vm7  }
0xb0: {  	v29 =	vld [tilespmem:$0x300];
	s12 =	sor.u32 s11, s12;
	v27 =	vsel vm7, v27, v25;
	v25 =	vsel vm7, v28, v26  }
0xb1: {  	v30 =	vlaneseq.u32;
	s11 =	simm.s32 $0x20;
	v31 =	vld [tilespmem:s12+$0x300];
	v28 =	vperm.xlane v27, v4;
	v26 =	vperm.xlane v25, v4  }
.LBB2_15:
0xb2: {  	p0 =	sne.s32 s11, $0x1F0  }
.Ltmp7:
0xb3: {  	_ = 	snop;
	(pc) =	sbr.rel @p0 .LBB2_15-.Ltmp7, $4  }
0xb4: {  	s10 =	sadd.s32 $0x80, s10  }
0xb5: {  	s12 =	sand.u32 $0x70, s11;
	s14 =	sand.u32 $0xC00, s10  }
0xb6: {  	s13 =	smov.u32 s11;
	v32 =	vor.u32 s9, v0;
	s12 =	sor.u32 s12, s14;
	vm7 =	vgt.f32 v31, v29  }
0xb7: {  	s11 =	sadd.s32 $0x10, s11;
	s9 =	smov.u32 s13;
	v29 =	vsel vm7, v31, v29;
	v31 =	vld [tilespmem:s12+$0x300];
	v30 =	vsel vm7, v32, v30  }
0xb8: {  	_ =	sdelay $0x3  }
0xb9: {  	v32 =	vor.u32 s9, v0;
	vm7 =	vgt.f32 v31, v29  }
0xba: {  	v29 =	vsel vm7, v31, v29;
	v30 =	vsel vm7, v32, v30  }
0xbb: {  	v31 =	vperm.xlane v29, v1;
	v32 =	vperm.xlane v30, v1;
	_ =	sdelay $0x1  }
0xbc: {  	vm7 =	veq.f32 v31, v29;
	vm8 =	vlt.s32 v32, v30  }
0xbd: {  	vm9 =	vgt.f32 v31, v29;
	vm7 =	vmand vm7, vm8  }
0xbe: {  	vm7 =	vmor vm9, vm7  }
0xbf: {  	v29 =	vsel vm7, v31, v29;
	v30 =	vsel vm7, v32, v30  }
0xc0: {  	v31 =	vperm.xlane v29, v2;
	v32 =	vperm.xlane v30, v2;
	_ =	sdelay $0x1  }
0xc1: {  	vm7 =	veq.f32 v31, v29;
	vm8 =	vlt.s32 v32, v30  }
0xc2: {  	vm14 =	vgt.f32 v31, v29;
	vm7 =	vmand vm7, vm8  }
0xc3: {  	vm7 =	vmor vm14, vm7  }
0xc4: {  	v29 =	vsel vm7, v31, v29;
	v30 =	vsel vm7, v32, v30  }
0xc5: {  	v31 =	vperm.xlane v29, v3;
	v32 =	vperm.xlane v30, v3  }
0xc6: {  	s9 =	simm.s32 $0x10;
	s10 =	simm.s32 $0x80  }
0xc7: {  	s10 =	sor.u32 s10, s9;
	vm7 =	veq.f32 v31, v29;
	vm8 =	vlt.s32 v32, v30  }
0xc8: {  	v33 =	vld [tilespmem:$0x380];
	s11 =	sor.u32 $0x380, s10;
	vm15 =	vgt.f32 v31, v29;
	vm7 =	vmand vm7, vm8  }
0xc9: {  	v35 =	vld [tilespmem:s11+$0x0];
	vm7 =	vmor vm15, vm7  }
0xca: {  	v31 =	vsel vm7, v31, v29;
	v29 =	vsel vm7, v32, v30  }
0xcb: {  	v34 =	vlaneseq.u32;
	s10 =	simm.s32 $0x20;
	s11 =	simm.s32 $0x100;
	v32 =	vperm.xlane v31, v4;
	v30 =	vperm.xlane v29, v4  }
.LBB2_17:
0xcc: {  	s12 =	sor.u32 s11, s10  }
0xcd: {  	p0 =	sne.s32 s10, $0x1F0;
	s13 =	smov.u32 s10;
	s10 =	sadd.s32 $0x10, s10  }
.Ltmp8:
0xce: {  	v36 =	vor.u32 s9, v0;
	s12 =	sor.u32 $0x380, s12;
	vm7 =	vgt.f32 v35, v33;
	s9 =	smov.u32 s13;
	(pc) =	sbr.rel @p0 .LBB2_17-.Ltmp8, $2  }
0xcf: {  	v33 =	vsel vm7, v35, v33;
	v35 =	vld [tilespmem:s12+$0x0];
	v34 =	vsel vm7, v36, v34;
	_ =	sdelay $0x2  }
0xd0: {  	s11 =	sadd.s32 $0x80, s11  }
0xd1: {  	v36 =	vor.u32 s9, v0  }
0xd2: {  	vm8 =	veq.f32 v8, v7;
	vm9 =	vlt.s32 v6, v5;
	vm14 =	veq.f32 v12, v11  }
0xd3: {  	vm10 =	vlt.s32 v10, v9;
	vm7 =	vgt.f32 v35, v33;
	vm8 =	vmand vm8, vm9  }
0xd4: {  	v33 =	vsel vm7, v35, v33;
	v34 =	vsel vm7, v36, v34;
	vm7 =	vgt.f32 v8, v7  }
0xd5: {  	vm9 =	vmand vm14, vm10;
	vm7 =	vmor vm7, vm8;
	vm8 =	vgt.f32 v12, v11  }
0xd6: {  	v7 =	vperm.xlane v33, v1;
	v5 =	vsel vm7, v6, v5;
	vm7 =	vmmov $0x1  }
0xd7: {  	v57 =	vperm.xlane v34, v1;
	vm8 =	vmor vm8, vm9;
	v5 =	vsel vm7, v5, v0  }
0xd8: {  	v6 =	vsel vm8, v10, v9;
	vm7 =	veq.f32 v16, v14;
	vm8 =	vlt.s32 v15, v13  }
0xd9: {  	vm15 =	vgt.f32 v16, v14;
	vm12 =	vlt.s32 v57, v34;
	vm7 =	vmand vm7, vm8  }
0xda: {  	v5 =	vsel vm0, v5, v6;
	vm8 =	veq.f32 v7, v33;
	vm7 =	vmor vm15, vm7  }
0xdb: {  	vm8 =	vmand vm8, vm12;
	v6 =	vsel vm7, v15, v13;
	vm7 =	vgt.f32 v7, v33  }
0xdc: {  	vm13 =	vgt.f32 v20, v19;
	vm14 =	veq.f32 v20, v19;
	vm7 =	vmor vm7, vm8  }
0xdd: {  	vm8 =	vlt.s32 v18, v17;
	v7 =	vsel vm7, v7, v33;
	v8 =	vsel vm7, v57, v34  }
0xde: {  	vm7 =	vmand vm14, vm8;
	v58 =	vperm.xlane v7, v2;
	v59 =	vperm.xlane v8, v2  }
0xdf: {  	v5 =	vsel vm1, v5, v6;
	vm7 =	vmor vm13, vm7  }
0xe0: {  	v6 =	vsel vm7, v18, v17;
	vm7 =	veq.f32 v58, v7;
	vm8 =	vlt.s32 v59, v8  }
0xe1: {  	vm15 =	vgt.f32 v24, v23;
	vm12 =	vgt.f32 v58, v7;
	vm7 =	vmand vm7, vm8  }
0xe2: {  	vm13 =	vlt.s32 v22, v21;
	vm8 =	veq.f32 v24, v23;
	vm7 =	vmor vm12, vm7  }
0xe3: {  	vm8 =	vmand vm8, vm13;
	v7 =	vsel vm7, v58, v7;
	v8 =	vsel vm7, v59, v8  }
0xe4: {  	vm7 =	vmor vm15, vm8;
	v9 =	vperm.xlane v7, v3;
	v10 =	vperm.xlane v8, v3  }
0xe5: {  	vm8 =	vlt.s32 v26, v25;
	v60 =	vsel vm7, v22, v21;
	vm7 =	veq.f32 v28, v27  }
0xe6: {  	vm7 =	vmand vm7, vm8;
	vm8 =	veq.f32 v9, v7;
	vm14 =	vlt.s32 v10, v8  }
0xe7: {  	v5 =	vsel vm2, v5, v6;
	vm12 =	vgt.f32 v9, v7;
	vm8 =	vmand vm8, vm14  }
0xe8: {  	vm13 =	veq.f32 v32, v31;
	vm15 =	vgt.f32 v28, v27;
	vm8 =	vmor vm12, vm8  }
0xe9: {  	vm7 =	vmor vm15, vm7;
	v6 =	vsel vm8, v9, v7;
	v7 =	vsel vm8, v10, v8  }
0xea: {  	vm8 =	vlt.s32 v30, v29;
	v61 =	vperm.xlane v6, v4;
	v62 =	vperm.xlane v7, v4  }
0xeb: {  	v63 =	vsel vm7, v26, v25;
	vm7 =	vgt.f32 v32, v31;
	vm8 =	vmand vm13, vm8  }
0xec: {  	vm7 =	vmor vm7, vm8;
	vm8 =	veq.f32 v61, v6;
	vm14 =	vlt.s32 v62, v7  }
0xed: {  	v5 =	vsel vm3, v5, v60;
	vm15 =	vgt.f32 v61, v6;
	vm8 =	vmand vm8, vm14  }
0xee: {  	v5 =	vsel vm4, v5, v63;
	v6 =	vsel vm7, v30, v29;
	vm7 =	vmor vm15, vm8  }
0xef: {  	s8 =	sadd.s32 $0x1, s8;
	v5 =	vsel vm5, v5, v6;
	v6 =	vsel vm7, v62, v7  }
0xf0: {  	p0 =	sne.s32 s8, s5;
	v5 =	vsel vm6, v5, v6  }
.Ltmp9:
0xf1: {  	[tilespmem:$0x1000] =	vst v5;
	(pc) =	sbr.rel @p0 .LBB2_2-.Ltmp9, $4  }
0xf2: {  	[hbm4b:s3+s2] =	stream.linear.scatter [tilespmem:s7], [sflag:$0x1], $0x8, $0x38;
	[tilespmem:$0x1080] =	vst v63  }
0xf3: {  	_ =	swait.ge [sflag:s6], $0x8  }
0xf4: {  	[sflag:s6] =	ssyncset.done $0x0  }
0xf5: {  	[sflag:s6] =	ssyncadd.s32 $0xFFFFFFF8  }
.LBB2_19:
0xf6: {  	_ =	sfence.sel $0x180000  }
0xf7: {  	[bflag:$0x0] =	sbarrier.arrive $0xFFFF  }
0xf8: {  	p0 =	sne.s32 s1, $0x0;
	_ =	strace $0x90000047  }
0xf9: {  	s0 =	sadd.s32 @!p0 $0x100000, s0;
	[bflag:$0x2] =	sbarrier.arrive $0xFFFF  }
0xfa: {  	[sflag:s0] =	ssyncadd.tile.s32 @!p0 $0x1;
	_ =	shalt  }
.Lfunc_end2:
_tile_overlayer_lowered:
.L_overlay_start_2:
0xfb: {  	(tag) =	ssettag $0x2  }
0xfc: {  	s0 =	rddreg [dreg:$0x0];
	s2 =	stileid.u32  }
0xfd: {  	s1 =	rddreg [dreg:$0x1];
	p0 =	sne.s32 s2, $0x0  }
0xfe: {  	s3 =	rddreg [dreg:$0x2];
	[bflag:$0x3] =	sbarrier.arrive $0xFFFF;
	s2 =	simm.s32 @!p0 $0x1C01  }
0xff: {  	[timem:s3], [sflag:s2] =	dma.local @!p0 [hbm:s0], s1  }
0x100: {  	s0 =	simm.s32 @!p0 $0x1  }
0x101: {  	_ =	swait.ge @!p0 [sflag:s0], s1  }
0x102: {  	s1 =	ssub.s32 @!p0 $0x0, s1;
	[sflag:s0] =	ssyncset.done @!p0 $0x0  }
0x103: {  	[sflag:s0] =	ssyncadd.s32 @!p0 s1  }
0x104: {  	[bflag:$0x3] =	sbarrier.arrive $0xFFFF  }
0x105: {  	_ =	shalt  }

</sc_bundles>
